<compile_context>
chip_gen: v7x
topology: tpu7x:2x2x1
jax: 0.10.2.dev20260603
libtpu: 0.0.44.dev20260713+nightly
codegen_flags: <defaults>
</compile_context>

<pallas_src>
import functools
import jax
import jax.numpy as jnp
from jax import lax
from jax.experimental import pallas as pl
from jax.experimental.pallas import tpu as pltpu
from jax.experimental.pallas import tpu_sc as plsc

_E = 8
_R = 16
_SCALING = 2.0
_TN = 512
_TNR = 1024
_CH = 128
_NW = 32
_L = 16


def _router_kernel(x_ref, wr_ref, aall_ref, out_ref, xa_ref):
    x = x_ref[...]
    for b in range(_TNR // _CH):
        out_ref[b] = lax.dot_general(
            wr_ref[...], x[b * _CH:(b + 1) * _CH], (((1,), (1,)), ((), ())),
            preferred_element_type=jnp.float32)
    xa_ref[...] = lax.dot_general(
        x, aall_ref[...], (((1,), (1,)), ((), ())),
        preferred_element_type=jnp.float32)


def _sc_gate_body(logits_hbm, gate_hbm, buf_in, buf_out):
    wid = lax.axis_index("s") * 2 + lax.axis_index("c")
    pltpu.sync_copy(logits_hbm.at[wid], buf_in)
    for g in range(_CH // _L):
        sl = pl.ds(g * _L, _L)
        vs = [buf_in[e, sl] for e in range(_E)]
        m1 = vs[0]
        for v in vs[1:]:
            m1 = jnp.maximum(m1, v)
        neg = jnp.full((_L,), -jnp.inf, jnp.float32)
        m2 = neg
        for v in vs:
            m2 = jnp.maximum(m2, jnp.where(v < m1, v, neg))
        ws = [jnp.where(v >= m2, jnp.exp(v - m1), 0.0) for v in vs]
        s = ws[0]
        for w in ws[1:]:
            s = s + w
        inv = 1.0 / s
        for e in range(_E):
            buf_out[e, sl] = ws[e] * inv
    pltpu.sync_copy(buf_out, gate_hbm.at[wid])


def _sc_gate(logits3):
    mesh = plsc.VectorSubcoreMesh(core_axis_name="c", subcore_axis_name="s")
    fn = functools.partial(
        pl.kernel,
        mesh=mesh,
        out_type=jax.ShapeDtypeStruct((_NW, _E, _CH), jnp.float32),
        scratch_types=[
            pltpu.VMEM((_E, _CH), jnp.float32),
            pltpu.VMEM((_E, _CH), jnp.float32),
        ],
    )(_sc_gate_body)
    return fn(logits3)


def _main_kernel(x_ref, wb_ref, xa_ref, ball_ref, expand_ref, bbase_ref,
                 gate_ref, out_ref):
    x = x_ref[...]
    subscales = []
    for b in range(_TN // _CH):
        subscales.append(lax.dot_general(
            gate_ref[b], expand_ref[...], (((0,), (0,)), ((), ())),
            preferred_element_type=jnp.float32))
    scale = jnp.concatenate(subscales, axis=0)
    xa = xa_ref[...] * scale
    lora = lax.dot_general(
        xa, ball_ref[...], (((1,), (1,)), ((), ())),
        preferred_element_type=jnp.float32)
    base = lax.dot_general(
        x, wb_ref[...], (((1,), (1,)), ((), ())),
        preferred_element_type=jnp.float32)
    out_ref[...] = base + lora + bbase_ref[...]


def kernel(x, W_base, b_base, W_router, A, B):
    bs, seq, d = x.shape
    out_dim = W_base.shape[0]
    n = bs * seq
    x2 = x.reshape(n, d)
    a_all = A.reshape(_E * _R, d)
    b_all = jnp.transpose(B, (1, 0, 2)).reshape(out_dim, _E * _R)
    bias = b_base.reshape(1, out_dim)
    expand = jnp.kron(jnp.eye(_E, dtype=jnp.float32),
                      jnp.ones((1, _R), jnp.float32)) * _SCALING

    nblkr = _TNR // _CH
    nblk = _TN // _CH
    logits3, xa = pl.pallas_call(
        _router_kernel,
        grid=(n // _TNR,),
        in_specs=[
            pl.BlockSpec((_TNR, d), lambda i: (i, 0)),
            pl.BlockSpec((_E, d), lambda i: (0, 0)),
            pl.BlockSpec((_E * _R, d), lambda i: (0, 0)),
        ],
        out_specs=[
            pl.BlockSpec((nblkr, _E, _CH), lambda i: (i, 0, 0)),
            pl.BlockSpec((_TNR, _E * _R), lambda i: (i, 0)),
        ],
        out_shape=[
            jax.ShapeDtypeStruct((_NW, _E, _CH), jnp.float32),
            jax.ShapeDtypeStruct((n, _E * _R), jnp.float32),
        ],
        compiler_params=pltpu.CompilerParams(
            dimension_semantics=("arbitrary",),
        ),
    )(x2, W_router, a_all)

    gate3 = _sc_gate(logits3)

    out = pl.pallas_call(
        _main_kernel,
        grid=(n // _TN,),
        in_specs=[
            pl.BlockSpec((_TN, d), lambda i: (i, 0)),
            pl.BlockSpec((out_dim, d), lambda i: (0, 0)),
            pl.BlockSpec((_TN, _E * _R), lambda i: (i, 0)),
            pl.BlockSpec((out_dim, _E * _R), lambda i: (0, 0)),
            pl.BlockSpec((_E, _E * _R), lambda i: (0, 0)),
            pl.BlockSpec((1, out_dim), lambda i: (0, 0)),
            pl.BlockSpec((nblk, _E, _CH), lambda i: (i, 0, 0)),
        ],
        out_specs=pl.BlockSpec((_TN, out_dim), lambda i: (i, 0)),
        out_shape=jax.ShapeDtypeStruct((n, out_dim), jnp.float32),
        compiler_params=pltpu.CompilerParams(
            dimension_semantics=("arbitrary",),
        ),
    )(x2, W_base, xa, b_all, expand, bias, gate3)
    return out.reshape(bs, seq, out_dim)

# --- scband reference (transcript-rebuilt; emitter-appended) ---
"""Pipeline reference for scband-mixture-of-linear-81252191306059 (READ-ONLY COPY).

The authoritative reference and input builder live on the scoring server;
editing this copy changes nothing except your own understanding.
"""

import jax, jax.numpy as jnp
import numpy as np

NUM_EXPERTS = 8
TOP_K = 2
R = 16
LORA_ALPHA = 32
SCALING = LORA_ALPHA / R
BS, SEQ, D_MODEL, OUT_DIM = 2, 2048, 2048, 2048


def setup_inputs(seed: int = 0):
    key = jax.random.key(seed)
    ks = jax.random.split(key, 6)
    x = jax.random.normal(ks[0], (BS, SEQ, D_MODEL), dtype=jnp.float32)
    W_base = jax.random.normal(ks[1], (OUT_DIM, D_MODEL), dtype=jnp.float32) / np.sqrt(D_MODEL)
    b_base = jnp.zeros((OUT_DIM,), dtype=jnp.float32)
    W_router = jax.random.normal(ks[2], (NUM_EXPERTS, D_MODEL), dtype=jnp.float32) * 0.02
    A = jax.random.normal(ks[3], (NUM_EXPERTS, R, D_MODEL), dtype=jnp.float32) / np.sqrt(D_MODEL)
    B = jax.random.normal(ks[4], (NUM_EXPERTS, OUT_DIM, R), dtype=jnp.float32) * 0.02
    return {"x": x, "W_base": W_base, "b_base": b_base, "W_router": W_router, "A": A, "B": B}


def reference(x, W_base, b_base, W_router, A, B):
    bs, seq, d = x.shape
    # base layer: nn.Linear
    base_out = jnp.einsum('bsd,od->bso', x, W_base) + b_base
    _x = x.reshape(-1, d)
    # per-token router (global_router=False, deep_router=False)
    router_out = _x @ W_router.T  # [N, E]
    routing_weights, selected_experts = jax.lax.top_k(router_out, TOP_K)  # [N, k]
    routing_weights = jax.nn.softmax(routing_weights, axis=-1)  # router_norm='softmax'
    # dense per-token gate weight for each expert (0 if expert not selected);
    # mathematically identical to the torch masked index_add_ dispatch
    expert_mask = jax.nn.one_hot(selected_experts, NUM_EXPERTS, dtype=routing_weights.dtype)  # [N, k, E]
    gate = jnp.einsum('nk,nke->ne', routing_weights, expert_mask)  # [N, E]
    experts_outputs = jnp.zeros((_x.shape[0], OUT_DIM), dtype=_x.dtype)
    for e in range(NUM_EXPERTS):
        # lora_forward: B(A(dropout(x))) * scaling, dropout p=0.0
        h = (_x @ A[e].T) @ B[e].T * SCALING  # [N, OUT_DIM]
        experts_outputs = experts_outputs + gate[:, e:e + 1] * h
    return base_out + experts_outputs.reshape(bs, seq, OUT_DIM)

if __name__ == "__main__":
    import jax
    _d = setup_inputs()
    print(jax.jit(kernel)(*tuple(_d.values())))

</pallas_src>

<mosaic_0001>
#map = affine_map<(d0, d1) -> (0, 0, 0)>
module attributes {stable_mosaic.version = 14 : i64} {
  func.func @_sc_gate_body(%arg0: i32, %arg1: i32, %arg2: memref<32x8x128xf32, #tpu.memory_space<hbm>>, %arg3: memref<32x8x128xf32, #tpu.memory_space<hbm>>, %arg4: memref<8x128xf32, #tpu.memory_space<vmem>>, %arg5: memref<8x128xf32, #tpu.memory_space<vmem>>) attributes {dimension_semantics = [#tpu.dimension_semantics<core_parallel>, #tpu.dimension_semantics<subcore_parallel>], iteration_bounds = array<i64: 2, 16>, scalar_prefetch = 0 : i64, scratch_operands = 2 : i64, tpu.core_type = #tpu.core_type<sc_vector_subcore>, window_params = [{transform_indices = #map}, {transform_indices = #map}]} {
    %mul3A = arith.constant 2 : i32
    %mul3A_0 = arith.muli %arg1, %mul3A : i32
    %add3A = arith.addi %mul3A_0, %arg0 : i32
    "tpu.region"() ({
      %run_scoped3A = tpu.sem_alloc : memref<!tpu.dma_semaphore, #tpu.memory_space<semaphore_mem>>
      %dma_start3A = arith.constant 0 : i32
      %dma_start3A_1486 = arith.constant 0 : i32
      %dma_start3A_1487 = tpu.memref_slice %arg2[%add3A, %dma_start3A, %dma_start3A_1486] : memref<32x8x128xf32, #tpu.memory_space<hbm>> -> memref<1x8x128xf32, #tpu.memory_space<hbm>>
      %dma_start3A_1488 = tpu.memref_squeeze %dma_start3A_1487 : memref<1x8x128xf32, #tpu.memory_space<hbm>> -> memref<8x128xf32, #tpu.memory_space<hbm>>
      %dma_start3A_1489 = arith.constant 0 : i32
      %dma_start3A_1490 = arith.constant 0 : i32
      %dma_start3A_1491 = tpu.memref_slice %arg2[%add3A, %dma_start3A_1489, %dma_start3A_1490] : memref<32x8x128xf32, #tpu.memory_space<hbm>> -> memref<1x8x128xf32, #tpu.memory_space<hbm>>
      %dma_start3A_1492 = tpu.memref_squeeze %dma_start3A_1491 : memref<1x8x128xf32, #tpu.memory_space<hbm>> -> memref<8x128xf32, #tpu.memory_space<hbm>>
      tpu.enqueue_dma source(%dma_start3A_1492 : memref<8x128xf32, #tpu.memory_space<hbm>>) target(%arg4 : memref<8x128xf32, #tpu.memory_space<vmem>>) target_semaphore(%run_scoped3A : memref<!tpu.dma_semaphore, #tpu.memory_space<semaphore_mem>>)
      %dma_wait3A = arith.constant 0 : i32
      %dma_wait3A_1493 = arith.constant 0 : i32
      %dma_wait3A_1494 = tpu.memref_slice %arg2[%add3A, %dma_wait3A, %dma_wait3A_1493] : memref<32x8x128xf32, #tpu.memory_space<hbm>> -> memref<1x8x128xf32, #tpu.memory_space<hbm>>
      %dma_wait3A_1495 = tpu.memref_squeeze %dma_wait3A_1494 : memref<1x8x128xf32, #tpu.memory_space<hbm>> -> memref<8x128xf32, #tpu.memory_space<hbm>>
      %dma_wait3A_1496 = arith.constant 0 : i32
      %dma_wait3A_1497 = arith.constant 0 : i32
      %dma_wait3A_1498 = tpu.memref_slice %arg2[%add3A, %dma_wait3A_1496, %dma_wait3A_1497] : memref<32x8x128xf32, #tpu.memory_space<hbm>> -> memref<1x8x128xf32, #tpu.memory_space<hbm>>
      %dma_wait3A_1499 = tpu.memref_squeeze %dma_wait3A_1498 : memref<1x8x128xf32, #tpu.memory_space<hbm>> -> memref<8x128xf32, #tpu.memory_space<hbm>>
      tpu.wait_dma2 semaphore(%run_scoped3A : memref<!tpu.dma_semaphore, #tpu.memory_space<semaphore_mem>>) src(%dma_wait3A_1499 : memref<8x128xf32, #tpu.memory_space<hbm>>) dst(%arg4 : memref<8x128xf32, #tpu.memory_space<vmem>>)
      tpu.yield
    }) : () -> ()
    %get3A = arith.constant 0 : i32
    %get3A_1 = arith.index_cast %get3A : i32 to index
    %get3A_2 = arith.constant 0 : index
    %get3A_3 = tpu.vector_load %arg4[%get3A_1, %get3A_2] {strides = array<i32>} : memref<8x128xf32, #tpu.memory_space<vmem>>, vector<1x16xf32>,
    %get3A_4 = vector.shape_cast %get3A_3 : vector<1x16xf32> to vector<16xf32>
    %get3A_5 = arith.constant 1 : i32
    %get3A_6 = arith.index_cast %get3A_5 : i32 to index
    %get3A_7 = arith.constant 0 : index
    %get3A_8 = tpu.vector_load %arg4[%get3A_6, %get3A_7] {strides = array<i32>} : memref<8x128xf32, #tpu.memory_space<vmem>>, vector<1x16xf32>,
    %get3A_9 = vector.shape_cast %get3A_8 : vector<1x16xf32> to vector<16xf32>
    %get3A_10 = arith.constant 2 : i32
    %get3A_11 = arith.index_cast %get3A_10 : i32 to index
    %get3A_12 = arith.constant 0 : index
    %get3A_13 = tpu.vector_load %arg4[%get3A_11, %get3A_12] {strides = array<i32>} : memref<8x128xf32, #tpu.memory_space<vmem>>, vector<1x16xf32>,
    %get3A_14 = vector.shape_cast %get3A_13 : vector<1x16xf32> to vector<16xf32>
    %get3A_15 = arith.constant 3 : i32
    %get3A_16 = arith.index_cast %get3A_15 : i32 to index
    %get3A_17 = arith.constant 0 : index
    %get3A_18 = tpu.vector_load %arg4[%get3A_16, %get3A_17] {strides = array<i32>} : memref<8x128xf32, #tpu.memory_space<vmem>>, vector<1x16xf32>,
    %get3A_19 = vector.shape_cast %get3A_18 : vector<1x16xf32> to vector<16xf32>
    %get3A_20 = arith.constant 4 : i32
    %get3A_21 = arith.index_cast %get3A_20 : i32 to index
    %get3A_22 = arith.constant 0 : index
    %get3A_23 = tpu.vector_load %arg4[%get3A_21, %get3A_22] {strides = array<i32>} : memref<8x128xf32, #tpu.memory_space<vmem>>, vector<1x16xf32>,
    %get3A_24 = vector.shape_cast %get3A_23 : vector<1x16xf32> to vector<16xf32>
    %get3A_25 = arith.constant 5 : i32
    %get3A_26 = arith.index_cast %get3A_25 : i32 to index
    %get3A_27 = arith.constant 0 : index
    %get3A_28 = tpu.vector_load %arg4[%get3A_26, %get3A_27] {strides = array<i32>} : memref<8x128xf32, #tpu.memory_space<vmem>>, vector<1x16xf32>,
    %get3A_29 = vector.shape_cast %get3A_28 : vector<1x16xf32> to vector<16xf32>
    %get3A_30 = arith.constant 6 : i32
    %get3A_31 = arith.index_cast %get3A_30 : i32 to index
    %get3A_32 = arith.constant 0 : index
    %get3A_33 = tpu.vector_load %arg4[%get3A_31, %get3A_32] {strides = array<i32>} : memref<8x128xf32, #tpu.memory_space<vmem>>, vector<1x16xf32>,
    %get3A_34 = vector.shape_cast %get3A_33 : vector<1x16xf32> to vector<16xf32>
    %get3A_35 = arith.constant 7 : i32
    %get3A_36 = arith.index_cast %get3A_35 : i32 to index
    %get3A_37 = arith.constant 0 : index
    %get3A_38 = tpu.vector_load %arg4[%get3A_36, %get3A_37] {strides = array<i32>} : memref<8x128xf32, #tpu.memory_space<vmem>>, vector<1x16xf32>,
    %get3A_39 = vector.shape_cast %get3A_38 : vector<1x16xf32> to vector<16xf32>
    %max3A = arith.maximumf %get3A_4, %get3A_9 : vector<16xf32>
    %max3A_40 = arith.maximumf %max3A, %get3A_14 : vector<16xf32>
    %max3A_41 = arith.maximumf %max3A_40, %get3A_19 : vector<16xf32>
    %max3A_42 = arith.maximumf %max3A_41, %get3A_24 : vector<16xf32>
    %max3A_43 = arith.maximumf %max3A_42, %get3A_29 : vector<16xf32>
    %max3A_44 = arith.maximumf %max3A_43, %get3A_34 : vector<16xf32>
    %max3A_45 = arith.maximumf %max3A_44, %get3A_39 : vector<16xf32>
    %broadcast_in_dim3A = arith.constant 0xFF800000 : f32
    %broadcast_in_dim3A_46 = vector.broadcast %broadcast_in_dim3A : f32 to vector<16xf32>
    %lt3A = arith.cmpf olt, %get3A_4, %max3A_45 : vector<16xf32>
    %select_n3A = arith.select %lt3A, %get3A_4, %broadcast_in_dim3A_46 : vector<16xi1>, vector<16xf32>
    %max3A_47 = arith.maximumf %broadcast_in_dim3A_46, %select_n3A : vector<16xf32>
    %lt3A_48 = arith.cmpf olt, %get3A_9, %max3A_45 : vector<16xf32>
    %select_n3A_49 = arith.select %lt3A_48, %get3A_9, %broadcast_in_dim3A_46 : vector<16xi1>, vector<16xf32>
    %max3A_50 = arith.maximumf %max3A_47, %select_n3A_49 : vector<16xf32>
    %lt3A_51 = arith.cmpf olt, %get3A_14, %max3A_45 : vector<16xf32>
    %select_n3A_52 = arith.select %lt3A_51, %get3A_14, %broadcast_in_dim3A_46 : vector<16xi1>, vector<16xf32>
    %max3A_53 = arith.maximumf %max3A_50, %select_n3A_52 : vector<16xf32>
    %lt3A_54 = arith.cmpf olt, %get3A_19, %max3A_45 : vector<16xf32>
    %select_n3A_55 = arith.select %lt3A_54, %get3A_19, %broadcast_in_dim3A_46 : vector<16xi1>, vector<16xf32>
    %max3A_56 = arith.maximumf %max3A_53, %select_n3A_55 : vector<16xf32>
    %lt3A_57 = arith.cmpf olt, %get3A_24, %max3A_45 : vector<16xf32>
    %select_n3A_58 = arith.select %lt3A_57, %get3A_24, %broadcast_in_dim3A_46 : vector<16xi1>, vector<16xf32>
    %max3A_59 = arith.maximumf %max3A_56, %select_n3A_58 : vector<16xf32>
    %lt3A_60 = arith.cmpf olt, %get3A_29, %max3A_45 : vector<16xf32>
    %select_n3A_61 = arith.select %lt3A_60, %get3A_29, %broadcast_in_dim3A_46 : vector<16xi1>, vector<16xf32>
    %max3A_62 = arith.maximumf %max3A_59, %select_n3A_61 : vector<16xf32>
    %lt3A_63 = arith.cmpf olt, %get3A_34, %max3A_45 : vector<16xf32>
    %select_n3A_64 = arith.select %lt3A_63, %get3A_34, %broadcast_in_dim3A_46 : vector<16xi1>, vector<16xf32>
    %max3A_65 = arith.maximumf %max3A_62, %select_n3A_64 : vector<16xf32>
    %lt3A_66 = arith.cmpf olt, %get3A_39, %max3A_45 : vector<16xf32>
    %select_n3A_67 = arith.select %lt3A_66, %get3A_39, %broadcast_in_dim3A_46 : vector<16xi1>, vector<16xf32>
    %max3A_68 = arith.maximumf %max3A_65, %select_n3A_67 : vector<16xf32>
    %ge3A = arith.cmpf oge, %get3A_4, %max3A_68 : vector<16xf32>
    %sub3A = arith.subf %get3A_4, %max3A_45 : vector<16xf32>
    %exp3A = math.exp %sub3A : vector<16xf32>
    %jit3A = arith.constant 0.000000e+00 : f32
    %broadcast_in_dim3A_69 = vector.broadcast %jit3A : f32 to vector<16xf32>
    %select_n3A_70 = arith.select %ge3A, %exp3A, %broadcast_in_dim3A_69 : vector<16xi1>, vector<16xf32>
    %ge3A_71 = arith.cmpf oge, %get3A_9, %max3A_68 : vector<16xf32>
    %sub3A_72 = arith.subf %get3A_9, %max3A_45 : vector<16xf32>
    %exp3A_73 = math.exp %sub3A_72 : vector<16xf32>
    %jit3A_74 = arith.constant 0.000000e+00 : f32
    %broadcast_in_dim3A_75 = vector.broadcast %jit3A_74 : f32 to vector<16xf32>
    %select_n3A_76 = arith.select %ge3A_71, %exp3A_73, %broadcast_in_dim3A_75 : vector<16xi1>, vector<16xf32>
    %ge3A_77 = arith.cmpf oge, %get3A_14, %max3A_68 : vector<16xf32>
    %sub3A_78 = arith.subf %get3A_14, %max3A_45 : vector<16xf32>
    %exp3A_79 = math.exp %sub3A_78 : vector<16xf32>
    %jit3A_80 = arith.constant 0.000000e+00 : f32
    %broadcast_in_dim3A_81 = vector.broadcast %jit3A_80 : f32 to vector<16xf32>
    %select_n3A_82 = arith.select %ge3A_77, %exp3A_79, %broadcast_in_dim3A_81 : vector<16xi1>, vector<16xf32>
    %ge3A_83 = arith.cmpf oge, %get3A_19, %max3A_68 : vector<16xf32>
    %sub3A_84 = arith.subf %get3A_19, %max3A_45 : vector<16xf32>
    %exp3A_85 = math.exp %sub3A_84 : vector<16xf32>
    %jit3A_86 = arith.constant 0.000000e+00 : f32
    %broadcast_in_dim3A_87 = vector.broadcast %jit3A_86 : f32 to vector<16xf32>
    %select_n3A_88 = arith.select %ge3A_83, %exp3A_85, %broadcast_in_dim3A_87 : vector<16xi1>, vector<16xf32>
    %ge3A_89 = arith.cmpf oge, %get3A_24, %max3A_68 : vector<16xf32>
    %sub3A_90 = arith.subf %get3A_24, %max3A_45 : vector<16xf32>
    %exp3A_91 = math.exp %sub3A_90 : vector<16xf32>
    %jit3A_92 = arith.constant 0.000000e+00 : f32
    %broadcast_in_dim3A_93 = vector.broadcast %jit3A_92 : f32 to vector<16xf32>
    %select_n3A_94 = arith.select %ge3A_89, %exp3A_91, %broadcast_in_dim3A_93 : vector<16xi1>, vector<16xf32>
    %ge3A_95 = arith.cmpf oge, %get3A_29, %max3A_68 : vector<16xf32>
    %sub3A_96 = arith.subf %get3A_29, %max3A_45 : vector<16xf32>
    %exp3A_97 = math.exp %sub3A_96 : vector<16xf32>
    %jit3A_98 = arith.constant 0.000000e+00 : f32
    %broadcast_in_dim3A_99 = vector.broadcast %jit3A_98 : f32 to vector<16xf32>
    %select_n3A_100 = arith.select %ge3A_95, %exp3A_97, %broadcast_in_dim3A_99 : vector<16xi1>, vector<16xf32>
    %ge3A_101 = arith.cmpf oge, %get3A_34, %max3A_68 : vector<16xf32>
    %sub3A_102 = arith.subf %get3A_34, %max3A_45 : vector<16xf32>
    %exp3A_103 = math.exp %sub3A_102 : vector<16xf32>
    %jit3A_104 = arith.constant 0.000000e+00 : f32
    %broadcast_in_dim3A_105 = vector.broadcast %jit3A_104 : f32 to vector<16xf32>
    %select_n3A_106 = arith.select %ge3A_101, %exp3A_103, %broadcast_in_dim3A_105 : vector<16xi1>, vector<16xf32>
    %ge3A_107 = arith.cmpf oge, %get3A_39, %max3A_68 : vector<16xf32>
    %sub3A_108 = arith.subf %get3A_39, %max3A_45 : vector<16xf32>
    %exp3A_109 = math.exp %sub3A_108 : vector<16xf32>
    %jit3A_110 = arith.constant 0.000000e+00 : f32
    %broadcast_in_dim3A_111 = vector.broadcast %jit3A_110 : f32 to vector<16xf32>
    %select_n3A_112 = arith.select %ge3A_107, %exp3A_109, %broadcast_in_dim3A_111 : vector<16xi1>, vector<16xf32>
    %add3A_113 = arith.addf %select_n3A_70, %select_n3A_76 : vector<16xf32>
    %add3A_114 = arith.addf %add3A_113, %select_n3A_82 : vector<16xf32>
    %add3A_115 = arith.addf %add3A_114, %select_n3A_88 : vector<16xf32>
    %add3A_116 = arith.addf %add3A_115, %select_n3A_94 : vector<16xf32>
    %add3A_117 = arith.addf %add3A_116, %select_n3A_100 : vector<16xf32>
    %add3A_118 = arith.addf %add3A_117, %select_n3A_106 : vector<16xf32>
    %add3A_119 = arith.addf %add3A_118, %select_n3A_112 : vector<16xf32>
    %div3A = arith.constant 1.000000e+00 : f32
    %div3A_120 = vector.broadcast %div3A : f32 to vector<16xf32>
    %div3A_121 = arith.divf %div3A_120, %add3A_119 : vector<16xf32>
    %mul3A_122 = arith.mulf %select_n3A_70, %div3A_121 : vector<16xf32>
    %swap3A = arith.constant 0 : i32
    %swap3A_123 = arith.index_cast %swap3A : i32 to index
    %swap3A_124 = arith.constant 0 : index
    %swap3A_125 = tpu.vector_load %arg5[%swap3A_123, %swap3A_124] {strides = array<i32>} : memref<8x128xf32, #tpu.memory_space<vmem>>, vector<1x16xf32>,
    %swap3A_126 = vector.shape_cast %swap3A_125 : vector<1x16xf32> to vector<16xf32>
    %swap3A_127 = vector.shape_cast %mul3A_122 : vector<16xf32> to vector<1x16xf32>
    tpu.vector_store %arg5[%swap3A_123, %swap3A_124], %swap3A_127 {strides = array<i32>} : memref<8x128xf32, #tpu.memory_space<vmem>>, vector<1x16xf32>,
    %mul3A_128 = arith.mulf %select_n3A_76, %div3A_121 : vector<16xf32>
    %swap3A_129 = arith.constant 1 : i32
    %swap3A_130 = arith.index_cast %swap3A_129 : i32 to index
    %swap3A_131 = arith.constant 0 : index
    %swap3A_132 = tpu.vector_load %arg5[%swap3A_130, %swap3A_131] {strides = array<i32>} : memref<8x128xf32, #tpu.memory_space<vmem>>, vector<1x16xf32>,
    %swap3A_133 = vector.shape_cast %swap3A_132 : vector<1x16xf32> to vector<16xf32>
    %swap3A_134 = vector.shape_cast %mul3A_128 : vector<16xf32> to vector<1x16xf32>
    tpu.vector_store %arg5[%swap3A_130, %swap3A_131], %swap3A_134 {strides = array<i32>} : memref<8x128xf32, #tpu.memory_space<vmem>>, vector<1x16xf32>,
    %mul3A_135 = arith.mulf %select_n3A_82, %div3A_121 : vector<16xf32>
    %swap3A_136 = arith.constant 2 : i32
    %swap3A_137 = arith.index_cast %swap3A_136 : i32 to index
    %swap3A_138 = arith.constant 0 : index
    %swap3A_139 = tpu.vector_load %arg5[%swap3A_137, %swap3A_138] {strides = array<i32>} : memref<8x128xf32, #tpu.memory_space<vmem>>, vector<1x16xf32>,
    %swap3A_140 = vector.shape_cast %swap3A_139 : vector<1x16xf32> to vector<16xf32>
    %swap3A_141 = vector.shape_cast %mul3A_135 : vector<16xf32> to vector<1x16xf32>
    tpu.vector_store %arg5[%swap3A_137, %swap3A_138], %swap3A_141 {strides = array<i32>} : memref<8x128xf32, #tpu.memory_space<vmem>>, vector<1x16xf32>,
    %mul3A_142 = arith.mulf %select_n3A_88, %div3A_121 : vector<16xf32>
    %swap3A_143 = arith.constant 3 : i32
    %swap3A_144 = arith.index_cast %swap3A_143 : i32 to index
    %swap3A_145 = arith.constant 0 : index
    %swap3A_146 = tpu.vector_load %arg5[%swap3A_144, %swap3A_145] {strides = array<i32>} : memref<8x128xf32, #tpu.memory_space<vmem>>, vector<1x16xf32>,
    %swap3A_147 = vector.shape_cast %swap3A_146 : vector<1x16xf32> to vector<16xf32>
    %swap3A_148 = vector.shape_cast %mul3A_142 : vector<16xf32> to vector<1x16xf32>
    tpu.vector_store %arg5[%swap3A_144, %swap3A_145], %swap3A_148 {strides = array<i32>} : memref<8x128xf32, #tpu.memory_space<vmem>>, vector<1x16xf32>,
    %mul3A_149 = arith.mulf %select_n3A_94, %div3A_121 : vector<16xf32>
    %swap3A_150 = arith.constant 4 : i32
    %swap3A_151 = arith.index_cast %swap3A_150 : i32 to index
    %swap3A_152 = arith.constant 0 : index
    %swap3A_153 = tpu.vector_load %arg5[%swap3A_151, %swap3A_152] {strides = array<i32>} : memref<8x128xf32, #tpu.memory_space<vmem>>, vector<1x16xf32>,
    %swap3A_154 = vector.shape_cast %swap3A_153 : vector<1x16xf32> to vector<16xf32>
    %swap3A_155 = vector.shape_cast %mul3A_149 : vector<16xf32> to vector<1x16xf32>
    tpu.vector_store %arg5[%swap3A_151, %swap3A_152], %swap3A_155 {strides = array<i32>} : memref<8x128xf32, #tpu.memory_space<vmem>>, vector<1x16xf32>,
    %mul3A_156 = arith.mulf %select_n3A_100, %div3A_121 : vector<16xf32>
    %swap3A_157 = arith.constant 5 : i32
    %swap3A_158 = arith.index_cast %swap3A_157 : i32 to index
    %swap3A_159 = arith.constant 0 : index
    %swap3A_160 = tpu.vector_load %arg5[%swap3A_158, %swap3A_159] {strides = array<i32>} : memref<8x128xf32, #tpu.memory_space<vmem>>, vector<1x16xf32>,
    %swap3A_161 = vector.shape_cast %swap3A_160 : vector<1x16xf32> to vector<16xf32>
    %swap3A_162 = vector.shape_cast %mul3A_156 : vector<16xf32> to vector<1x16xf32>
    tpu.vector_store %arg5[%swap3A_158, %swap3A_159], %swap3A_162 {strides = array<i32>} : memref<8x128xf32, #tpu.memory_space<vmem>>, vector<1x16xf32>,
    %mul3A_163 = arith.mulf %select_n3A_106, %div3A_121 : vector<16xf32>
    %swap3A_164 = arith.constant 6 : i32
    %swap3A_165 = arith.index_cast %swap3A_164 : i32 to index
    %swap3A_166 = arith.constant 0 : index
    %swap3A_167 = tpu.vector_load %arg5[%swap3A_165, %swap3A_166] {strides = array<i32>} : memref<8x128xf32, #tpu.memory_space<vmem>>, vector<1x16xf32>,
    %swap3A_168 = vector.shape_cast %swap3A_167 : vector<1x16xf32> to vector<16xf32>
    %swap3A_169 = vector.shape_cast %mul3A_163 : vector<16xf32> to vector<1x16xf32>
    tpu.vector_store %arg5[%swap3A_165, %swap3A_166], %swap3A_169 {strides = array<i32>} : memref<8x128xf32, #tpu.memory_space<vmem>>, vector<1x16xf32>,
    %mul3A_170 = arith.mulf %select_n3A_112, %div3A_121 : vector<16xf32>
    %swap3A_171 = arith.constant 7 : i32
    %swap3A_172 = arith.index_cast %swap3A_171 : i32 to index
    %swap3A_173 = arith.constant 0 : index
    %swap3A_174 = tpu.vector_load %arg5[%swap3A_172, %swap3A_173] {strides = array<i32>} : memref<8x128xf32, #tpu.memory_space<vmem>>, vector<1x16xf32>,
    %swap3A_175 = vector.shape_cast %swap3A_174 : vector<1x16xf32> to vector<16xf32>
    %swap3A_176 = vector.shape_cast %mul3A_170 : vector<16xf32> to vector<1x16xf32>
    tpu.vector_store %arg5[%swap3A_172, %swap3A_173], %swap3A_176 {strides = array<i32>} : memref<8x128xf32, #tpu.memory_space<vmem>>, vector<1x16xf32>,
    %get3A_177 = arith.constant 0 : i32
    %get3A_178 = arith.index_cast %get3A_177 : i32 to index
    %get3A_179 = arith.constant 16 : index
    %get3A_180 = tpu.vector_load %arg4[%get3A_178, %get3A_179] {strides = array<i32>} : memref<8x128xf32, #tpu.memory_space<vmem>>, vector<1x16xf32>,
    %get3A_181 = vector.shape_cast %get3A_180 : vector<1x16xf32> to vector<16xf32>
    %get3A_182 = arith.constant 1 : i32
    %get3A_183 = arith.index_cast %get3A_182 : i32 to index
    %get3A_184 = arith.constant 16 : index
    %get3A_185 = tpu.vector_load %arg4[%get3A_183, %get3A_184] {strides = array<i32>} : memref<8x128xf32, #tpu.memory_space<vmem>>, vector<1x16xf32>,
    %get3A_186 = vector.shape_cast %get3A_185 : vector<1x16xf32> to vector<16xf32>
    %get3A_187 = arith.constant 2 : i32
    %get3A_188 = arith.index_cast %get3A_187 : i32 to index
    %get3A_189 = arith.constant 16 : index
    %get3A_190 = tpu.vector_load %arg4[%get3A_188, %get3A_189] {strides = array<i32>} : memref<8x128xf32, #tpu.memory_space<vmem>>, vector<1x16xf32>,
    %get3A_191 = vector.shape_cast %get3A_190 : vector<1x16xf32> to vector<16xf32>
    %get3A_192 = arith.constant 3 : i32
    %get3A_193 = arith.index_cast %get3A_192 : i32 to index
    %get3A_194 = arith.constant 16 : index
    %get3A_195 = tpu.vector_load %arg4[%get3A_193, %get3A_194] {strides = array<i32>} : memref<8x128xf32, #tpu.memory_space<vmem>>, vector<1x16xf32>,
    %get3A_196 = vector.shape_cast %get3A_195 : vector<1x16xf32> to vector<16xf32>
    %get3A_197 = arith.constant 4 : i32
    %get3A_198 = arith.index_cast %get3A_197 : i32 to index
    %get3A_199 = arith.constant 16 : index
    %get3A_200 = tpu.vector_load %arg4[%get3A_198, %get3A_199] {strides = array<i32>} : memref<8x128xf32, #tpu.memory_space<vmem>>, vector<1x16xf32>,
    %get3A_201 = vector.shape_cast %get3A_200 : vector<1x16xf32> to vector<16xf32>
    %get3A_202 = arith.constant 5 : i32
    %get3A_203 = arith.index_cast %get3A_202 : i32 to index
    %get3A_204 = arith.constant 16 : index
    %get3A_205 = tpu.vector_load %arg4[%get3A_203, %get3A_204] {strides = array<i32>} : memref<8x128xf32, #tpu.memory_space<vmem>>, vector<1x16xf32>,
    %get3A_206 = vector.shape_cast %get3A_205 : vector<1x16xf32> to vector<16xf32>
    %get3A_207 = arith.constant 6 : i32
    %get3A_208 = arith.index_cast %get3A_207 : i32 to index
    %get3A_209 = arith.constant 16 : index
    %get3A_210 = tpu.vector_load %arg4[%get3A_208, %get3A_209] {strides = array<i32>} : memref<8x128xf32, #tpu.memory_space<vmem>>, vector<1x16xf32>,
    %get3A_211 = vector.shape_cast %get3A_210 : vector<1x16xf32> to vector<16xf32>
    %get3A_212 = arith.constant 7 : i32
    %get3A_213 = arith.index_cast %get3A_212 : i32 to index
    %get3A_214 = arith.constant 16 : index
    %get3A_215 = tpu.vector_load %arg4[%get3A_213, %get3A_214] {strides = array<i32>} : memref<8x128xf32, #tpu.memory_space<vmem>>, vector<1x16xf32>,
    %get3A_216 = vector.shape_cast %get3A_215 : vector<1x16xf32> to vector<16xf32>
    %max3A_217 = arith.maximumf %get3A_181, %get3A_186 : vector<16xf32>
    %max3A_218 = arith.maximumf %max3A_217, %get3A_191 : vector<16xf32>
    %max3A_219 = arith.maximumf %max3A_218, %get3A_196 : vector<16xf32>
    %max3A_220 = arith.maximumf %max3A_219, %get3A_201 : vector<16xf32>
    %max3A_221 = arith.maximumf %max3A_220, %get3A_206 : vector<16xf32>
    %max3A_222 = arith.maximumf %max3A_221, %get3A_211 : vector<16xf32>
    %max3A_223 = arith.maximumf %max3A_222, %get3A_216 : vector<16xf32>
    %broadcast_in_dim3A_224 = arith.constant 0xFF800000 : f32
    %broadcast_in_dim3A_225 = vector.broadcast %broadcast_in_dim3A_224 : f32 to vector<16xf32>
    %lt3A_226 = arith.cmpf olt, %get3A_181, %max3A_223 : vector<16xf32>
    %select_n3A_227 = arith.select %lt3A_226, %get3A_181, %broadcast_in_dim3A_225 : vector<16xi1>, vector<16xf32>
    %max3A_228 = arith.maximumf %broadcast_in_dim3A_225, %select_n3A_227 : vector<16xf32>
    %lt3A_229 = arith.cmpf olt, %get3A_186, %max3A_223 : vector<16xf32>
    %select_n3A_230 = arith.select %lt3A_229, %get3A_186, %broadcast_in_dim3A_225 : vector<16xi1>, vector<16xf32>
    %max3A_231 = arith.maximumf %max3A_228, %select_n3A_230 : vector<16xf32>
    %lt3A_232 = arith.cmpf olt, %get3A_191, %max3A_223 : vector<16xf32>
    %select_n3A_233 = arith.select %lt3A_232, %get3A_191, %broadcast_in_dim3A_225 : vector<16xi1>, vector<16xf32>
    %max3A_234 = arith.maximumf %max3A_231, %select_n3A_233 : vector<16xf32>
    %lt3A_235 = arith.cmpf olt, %get3A_196, %max3A_223 : vector<16xf32>
    %select_n3A_236 = arith.select %lt3A_235, %get3A_196, %broadcast_in_dim3A_225 : vector<16xi1>, vector<16xf32>
    %max3A_237 = arith.maximumf %max3A_234, %select_n3A_236 : vector<16xf32>
    %lt3A_238 = arith.cmpf olt, %get3A_201, %max3A_223 : vector<16xf32>
    %select_n3A_239 = arith.select %lt3A_238, %get3A_201, %broadcast_in_dim3A_225 : vector<16xi1>, vector<16xf32>
    %max3A_240 = arith.maximumf %max3A_237, %select_n3A_239 : vector<16xf32>
    %lt3A_241 = arith.cmpf olt, %get3A_206, %max3A_223 : vector<16xf32>
    %select_n3A_242 = arith.select %lt3A_241, %get3A_206, %broadcast_in_dim3A_225 : vector<16xi1>, vector<16xf32>
    %max3A_243 = arith.maximumf %max3A_240, %select_n3A_242 : vector<16xf32>
    %lt3A_244 = arith.cmpf olt, %get3A_211, %max3A_223 : vector<16xf32>
    %select_n3A_245 = arith.select %lt3A_244, %get3A_211, %broadcast_in_dim3A_225 : vector<16xi1>, vector<16xf32>
    %max3A_246 = arith.maximumf %max3A_243, %select_n3A_245 : vector<16xf32>
    %lt3A_247 = arith.cmpf olt, %get3A_216, %max3A_223 : vector<16xf32>
    %select_n3A_248 = arith.select %lt3A_247, %get3A_216, %broadcast_in_dim3A_225 : vector<16xi1>, vector<16xf32>
    %max3A_249 = arith.maximumf %max3A_246, %select_n3A_248 : vector<16xf32>
    %ge3A_250 = arith.cmpf oge, %get3A_181, %max3A_249 : vector<16xf32>
    %sub3A_251 = arith.subf %get3A_181, %max3A_223 : vector<16xf32>
    %exp3A_252 = math.exp %sub3A_251 : vector<16xf32>
    %jit3A_253 = arith.constant 0.000000e+00 : f32
    %broadcast_in_dim3A_254 = vector.broadcast %jit3A_253 : f32 to vector<16xf32>
    %select_n3A_255 = arith.select %ge3A_250, %exp3A_252, %broadcast_in_dim3A_254 : vector<16xi1>, vector<16xf32>
    %ge3A_256 = arith.cmpf oge, %get3A_186, %max3A_249 : vector<16xf32>
    %sub3A_257 = arith.subf %get3A_186, %max3A_223 : vector<16xf32>
    %exp3A_258 = math.exp %sub3A_257 : vector<16xf32>
    %jit3A_259 = arith.constant 0.000000e+00 : f32
    %broadcast_in_dim3A_260 = vector.broadcast %jit3A_259 : f32 to vector<16xf32>
    %select_n3A_261 = arith.select %ge3A_256, %exp3A_258, %broadcast_in_dim3A_260 : vector<16xi1>, vector<16xf32>
    %ge3A_262 = arith.cmpf oge, %get3A_191, %max3A_249 : vector<16xf32>
    %sub3A_263 = arith.subf %get3A_191, %max3A_223 : vector<16xf32>
    %exp3A_264 = math.exp %sub3A_263 : vector<16xf32>
    %jit3A_265 = arith.constant 0.000000e+00 : f32
    %broadcast_in_dim3A_266 = vector.broadcast %jit3A_265 : f32 to vector<16xf32>
    %select_n3A_267 = arith.select %ge3A_262, %exp3A_264, %broadcast_in_dim3A_266 : vector<16xi1>, vector<16xf32>
    %ge3A_268 = arith.cmpf oge, %get3A_196, %max3A_249 : vector<16xf32>
    %sub3A_269 = arith.subf %get3A_196, %max3A_223 : vector<16xf32>
    %exp3A_270 = math.exp %sub3A_269 : vector<16xf32>
    %jit3A_271 = arith.constant 0.000000e+00 : f32
    %broadcast_in_dim3A_272 = vector.broadcast %jit3A_271 : f32 to vector<16xf32>
    %select_n3A_273 = arith.select %ge3A_268, %exp3A_270, %broadcast_in_dim3A_272 : vector<16xi1>, vector<16xf32>
    %ge3A_274 = arith.cmpf oge, %get3A_201, %max3A_249 : vector<16xf32>
    %sub3A_275 = arith.subf %get3A_201, %max3A_223 : vector<16xf32>
    %exp3A_276 = math.exp %sub3A_275 : vector<16xf32>
    %jit3A_277 = arith.constant 0.000000e+00 : f32
    %broadcast_in_dim3A_278 = vector.broadcast %jit3A_277 : f32 to vector<16xf32>
    %select_n3A_279 = arith.select %ge3A_274, %exp3A_276, %broadcast_in_dim3A_278 : vector<16xi1>, vector<16xf32>
    %ge3A_280 = arith.cmpf oge, %get3A_206, %max3A_249 : vector<16xf32>
    %sub3A_281 = arith.subf %get3A_206, %max3A_223 : vector<16xf32>
    %exp3A_282 = math.exp %sub3A_281 : vector<16xf32>
    %jit3A_283 = arith.constant 0.000000e+00 : f32
    %broadcast_in_dim3A_284 = vector.broadcast %jit3A_283 : f32 to vector<16xf32>
    %select_n3A_285 = arith.select %ge3A_280, %exp3A_282, %broadcast_in_dim3A_284 : vector<16xi1>, vector<16xf32>
    %ge3A_286 = arith.cmpf oge, %get3A_211, %max3A_249 : vector<16xf32>
    %sub3A_287 = arith.subf %get3A_211, %max3A_223 : vector<16xf32>
    %exp3A_288 = math.exp %sub3A_287 : vector<16xf32>
    %jit3A_289 = arith.constant 0.000000e+00 : f32
    %broadcast_in_dim3A_290 = vector.broadcast %jit3A_289 : f32 to vector<16xf32>
    %select_n3A_291 = arith.select %ge3A_286, %exp3A_288, %broadcast_in_dim3A_290 : vector<16xi1>, vector<16xf32>
    %ge3A_292 = arith.cmpf oge, %get3A_216, %max3A_249 : vector<16xf32>
    %sub3A_293 = arith.subf %get3A_216, %max3A_223 : vector<16xf32>
    %exp3A_294 = math.exp %sub3A_293 : vector<16xf32>
    %jit3A_295 = arith.constant 0.000000e+00 : f32
    %broadcast_in_dim3A_296 = vector.broadcast %jit3A_295 : f32 to vector<16xf32>
    %select_n3A_297 = arith.select %ge3A_292, %exp3A_294, %broadcast_in_dim3A_296 : vector<16xi1>, vector<16xf32>
    %add3A_298 = arith.addf %select_n3A_255, %select_n3A_261 : vector<16xf32>
    %add3A_299 = arith.addf %add3A_298, %select_n3A_267 : vector<16xf32>
    %add3A_300 = arith.addf %add3A_299, %select_n3A_273 : vector<16xf32>
    %add3A_301 = arith.addf %add3A_300, %select_n3A_279 : vector<16xf32>
    %add3A_302 = arith.addf %add3A_301, %select_n3A_285 : vector<16xf32>
    %add3A_303 = arith.addf %add3A_302, %select_n3A_291 : vector<16xf32>
    %add3A_304 = arith.addf %add3A_303, %select_n3A_297 : vector<16xf32>
    %div3A_305 = arith.constant 1.000000e+00 : f32
    %div3A_306 = vector.broadcast %div3A_305 : f32 to vector<16xf32>
    %div3A_307 = arith.divf %div3A_306, %add3A_304 : vector<16xf32>
    %mul3A_308 = arith.mulf %select_n3A_255, %div3A_307 : vector<16xf32>
    %swap3A_309 = arith.constant 0 : i32
    %swap3A_310 = arith.index_cast %swap3A_309 : i32 to index
    %swap3A_311 = arith.constant 16 : index
    %swap3A_312 = tpu.vector_load %arg5[%swap3A_310, %swap3A_311] {strides = array<i32>} : memref<8x128xf32, #tpu.memory_space<vmem>>, vector<1x16xf32>,
    %swap3A_313 = vector.shape_cast %swap3A_312 : vector<1x16xf32> to vector<16xf32>
    %swap3A_314 = vector.shape_cast %mul3A_308 : vector<16xf32> to vector<1x16xf32>
    tpu.vector_store %arg5[%swap3A_310, %swap3A_311], %swap3A_314 {strides = array<i32>} : memref<8x128xf32, #tpu.memory_space<vmem>>, vector<1x16xf32>,
    %mul3A_315 = arith.mulf %select_n3A_261, %div3A_307 : vector<16xf32>
    %swap3A_316 = arith.constant 1 : i32
    %swap3A_317 = arith.index_cast %swap3A_316 : i32 to index
    %swap3A_318 = arith.constant 16 : index
    %swap3A_319 = tpu.vector_load %arg5[%swap3A_317, %swap3A_318] {strides = array<i32>} : memref<8x128xf32, #tpu.memory_space<vmem>>, vector<1x16xf32>,
    %swap3A_320 = vector.shape_cast %swap3A_319 : vector<1x16xf32> to vector<16xf32>
    %swap3A_321 = vector.shape_cast %mul3A_315 : vector<16xf32> to vector<1x16xf32>
    tpu.vector_store %arg5[%swap3A_317, %swap3A_318], %swap3A_321 {strides = array<i32>} : memref<8x128xf32, #tpu.memory_space<vmem>>, vector<1x16xf32>,
    %mul3A_322 = arith.mulf %select_n3A_267, %div3A_307 : vector<16xf32>
    %swap3A_323 = arith.constant 2 : i32
    %swap3A_324 = arith.index_cast %swap3A_323 : i32 to index
    %swap3A_325 = arith.constant 16 : index
    %swap3A_326 = tpu.vector_load %arg5[%swap3A_324, %swap3A_325] {strides = array<i32>} : memref<8x128xf32, #tpu.memory_space<vmem>>, vector<1x16xf32>,
    %swap3A_327 = vector.shape_cast %swap3A_326 : vector<1x16xf32> to vector<16xf32>
    %swap3A_328 = vector.shape_cast %mul3A_322 : vector<16xf32> to vector<1x16xf32>
    tpu.vector_store %arg5[%swap3A_324, %swap3A_325], %swap3A_328 {strides = array<i32>} : memref<8x128xf32, #tpu.memory_space<vmem>>, vector<1x16xf32>,
    %mul3A_329 = arith.mulf %select_n3A_273, %div3A_307 : vector<16xf32>
    %swap3A_330 = arith.constant 3 : i32
    %swap3A_331 = arith.index_cast %swap3A_330 : i32 to index
    %swap3A_332 = arith.constant 16 : index
    %swap3A_333 = tpu.vector_load %arg5[%swap3A_331, %swap3A_332] {strides = array<i32>} : memref<8x128xf32, #tpu.memory_space<vmem>>, vector<1x16xf32>,
    %swap3A_334 = vector.shape_cast %swap3A_333 : vector<1x16xf32> to vector<16xf32>
    %swap3A_335 = vector.shape_cast %mul3A_329 : vector<16xf32> to vector<1x16xf32>
    tpu.vector_store %arg5[%swap3A_331, %swap3A_332], %swap3A_335 {strides = array<i32>} : memref<8x128xf32, #tpu.memory_space<vmem>>, vector<1x16xf32>,
    %mul3A_336 = arith.mulf %select_n3A_279, %div3A_307 : vector<16xf32>
    %swap3A_337 = arith.constant 4 : i32
    %swap3A_338 = arith.index_cast %swap3A_337 : i32 to index
    %swap3A_339 = arith.constant 16 : index
    %swap3A_340 = tpu.vector_load %arg5[%swap3A_338, %swap3A_339] {strides = array<i32>} : memref<8x128xf32, #tpu.memory_space<vmem>>, vector<1x16xf32>,
    %swap3A_341 = vector.shape_cast %swap3A_340 : vector<1x16xf32> to vector<16xf32>
    %swap3A_342 = vector.shape_cast %mul3A_336 : vector<16xf32> to vector<1x16xf32>
    tpu.vector_store %arg5[%swap3A_338, %swap3A_339], %swap3A_342 {strides = array<i32>} : memref<8x128xf32, #tpu.memory_space<vmem>>, vector<1x16xf32>,
    %mul3A_343 = arith.mulf %select_n3A_285, %div3A_307 : vector<16xf32>
    %swap3A_344 = arith.constant 5 : i32
    %swap3A_345 = arith.index_cast %swap3A_344 : i32 to index
    %swap3A_346 = arith.constant 16 : index
    %swap3A_347 = tpu.vector_load %arg5[%swap3A_345, %swap3A_346] {strides = array<i32>} : memref<8x128xf32, #tpu.memory_space<vmem>>, vector<1x16xf32>,
    %swap3A_348 = vector.shape_cast %swap3A_347 : vector<1x16xf32> to vector<16xf32>
    %swap3A_349 = vector.shape_cast %mul3A_343 : vector<16xf32> to vector<1x16xf32>
    tpu.vector_store %arg5[%swap3A_345, %swap3A_346], %swap3A_349 {strides = array<i32>} : memref<8x128xf32, #tpu.memory_space<vmem>>, vector<1x16xf32>,
    %mul3A_350 = arith.mulf %select_n3A_291, %div3A_307 : vector<16xf32>
    %swap3A_351 = arith.constant 6 : i32
    %swap3A_352 = arith.index_cast %swap3A_351 : i32 to index
    %swap3A_353 = arith.constant 16 : index
    %swap3A_354 = tpu.vector_load %arg5[%swap3A_352, %swap3A_353] {strides = array<i32>} : memref<8x128xf32, #tpu.memory_space<vmem>>, vector<1x16xf32>,
    %swap3A_355 = vector.shape_cast %swap3A_354 : vector<1x16xf32> to vector<16xf32>
    %swap3A_356 = vector.shape_cast %mul3A_350 : vector<16xf32> to vector<1x16xf32>
    tpu.vector_store %arg5[%swap3A_352, %swap3A_353], %swap3A_356 {strides = array<i32>} : memref<8x128xf32, #tpu.memory_space<vmem>>, vector<1x16xf32>,
    %mul3A_357 = arith.mulf %select_n3A_297, %div3A_307 : vector<16xf32>
    %swap3A_358 = arith.constant 7 : i32
    %swap3A_359 = arith.index_cast %swap3A_358 : i32 to index
    %swap3A_360 = arith.constant 16 : index
    %swap3A_361 = tpu.vector_load %arg5[%swap3A_359, %swap3A_360] {strides = array<i32>} : memref<8x128xf32, #tpu.memory_space<vmem>>, vector<1x16xf32>,
    %swap3A_362 = vector.shape_cast %swap3A_361 : vector<1x16xf32> to vector<16xf32>
    %swap3A_363 = vector.shape_cast %mul3A_357 : vector<16xf32> to vector<1x16xf32>
    tpu.vector_store %arg5[%swap3A_359, %swap3A_360], %swap3A_363 {strides = array<i32>} : memref<8x128xf32, #tpu.memory_space<vmem>>, vector<1x16xf32>,
    %get3A_364 = arith.constant 0 : i32
    %get3A_365 = arith.index_cast %get3A_364 : i32 to index
    %get3A_366 = arith.constant 32 : index
    %get3A_367 = tpu.vector_load %arg4[%get3A_365, %get3A_366] {strides = array<i32>} : memref<8x128xf32, #tpu.memory_space<vmem>>, vector<1x16xf32>,
    %get3A_368 = vector.shape_cast %get3A_367 : vector<1x16xf32> to vector<16xf32>
    %get3A_369 = arith.constant 1 : i32
    %get3A_370 = arith.index_cast %get3A_369 : i32 to index
    %get3A_371 = arith.constant 32 : index
    %get3A_372 = tpu.vector_load %arg4[%get3A_370, %get3A_371] {strides = array<i32>} : memref<8x128xf32, #tpu.memory_space<vmem>>, vector<1x16xf32>,
    %get3A_373 = vector.shape_cast %get3A_372 : vector<1x16xf32> to vector<16xf32>
    %get3A_374 = arith.constant 2 : i32
    %get3A_375 = arith.index_cast %get3A_374 : i32 to index
    %get3A_376 = arith.constant 32 : index
    %get3A_377 = tpu.vector_load %arg4[%get3A_375, %get3A_376] {strides = array<i32>} : memref<8x128xf32, #tpu.memory_space<vmem>>, vector<1x16xf32>,
    %get3A_378 = vector.shape_cast %get3A_377 : vector<1x16xf32> to vector<16xf32>
    %get3A_379 = arith.constant 3 : i32
    %get3A_380 = arith.index_cast %get3A_379 : i32 to index
    %get3A_381 = arith.constant 32 : index
    %get3A_382 = tpu.vector_load %arg4[%get3A_380, %get3A_381] {strides = array<i32>} : memref<8x128xf32, #tpu.memory_space<vmem>>, vector<1x16xf32>,
    %get3A_383 = vector.shape_cast %get3A_382 : vector<1x16xf32> to vector<16xf32>
    %get3A_384 = arith.constant 4 : i32
    %get3A_385 = arith.index_cast %get3A_384 : i32 to index
    %get3A_386 = arith.constant 32 : index
    %get3A_387 = tpu.vector_load %arg4[%get3A_385, %get3A_386] {strides = array<i32>} : memref<8x128xf32, #tpu.memory_space<vmem>>, vector<1x16xf32>,
    %get3A_388 = vector.shape_cast %get3A_387 : vector<1x16xf32> to vector<16xf32>
    %get3A_389 = arith.constant 5 : i32
    %get3A_390 = arith.index_cast %get3A_389 : i32 to index
    %get3A_391 = arith.constant 32 : index
    %get3A_392 = tpu.vector_load %arg4[%get3A_390, %get3A_391] {strides = array<i32>} : memref<8x128xf32, #tpu.memory_space<vmem>>, vector<1x16xf32>,
    %get3A_393 = vector.shape_cast %get3A_392 : vector<1x16xf32> to vector<16xf32>
    %get3A_394 = arith.constant 6 : i32
    %get3A_395 = arith.index_cast %get3A_394 : i32 to index
    %get3A_396 = arith.constant 32 : index
    %get3A_397 = tpu.vector_load %arg4[%get3A_395, %get3A_396] {strides = array<i32>} : memref<8x128xf32, #tpu.memory_space<vmem>>, vector<1x16xf32>,
    %get3A_398 = vector.shape_cast %get3A_397 : vector<1x16xf32> to vector<16xf32>
    %get3A_399 = arith.constant 7 : i32
    %get3A_400 = arith.index_cast %get3A_399 : i32 to index
    %get3A_401 = arith.constant 32 : index
    %get3A_402 = tpu.vector_load %arg4[%get3A_400, %get3A_401] {strides = array<i32>} : memref<8x128xf32, #tpu.memory_space<vmem>>, vector<1x16xf32>,
    %get3A_403 = vector.shape_cast %get3A_402 : vector<1x16xf32> to vector<16xf32>
    %max3A_404 = arith.maximumf %get3A_368, %get3A_373 : vector<16xf32>
    %max3A_405 = arith.maximumf %max3A_404, %get3A_378 : vector<16xf32>
    %max3A_406 = arith.maximumf %max3A_405, %get3A_383 : vector<16xf32>
    %max3A_407 = arith.maximumf %max3A_406, %get3A_388 : vector<16xf32>
    %max3A_408 = arith.maximumf %max3A_407, %get3A_393 : vector<16xf32>
    %max3A_409 = arith.maximumf %max3A_408, %get3A_398 : vector<16xf32>
    %max3A_410 = arith.maximumf %max3A_409, %get3A_403 : vector<16xf32>
    %broadcast_in_dim3A_411 = arith.constant 0xFF800000 : f32
    %broadcast_in_dim3A_412 = vector.broadcast %broadcast_in_dim3A_411 : f32 to vector<16xf32>
    %lt3A_413 = arith.cmpf olt, %get3A_368, %max3A_410 : vector<16xf32>
    %select_n3A_414 = arith.select %lt3A_413, %get3A_368, %broadcast_in_dim3A_412 : vector<16xi1>, vector<16xf32>
    %max3A_415 = arith.maximumf %broadcast_in_dim3A_412, %select_n3A_414 : vector<16xf32>
    %lt3A_416 = arith.cmpf olt, %get3A_373, %max3A_410 : vector<16xf32>
    %select_n3A_417 = arith.select %lt3A_416, %get3A_373, %broadcast_in_dim3A_412 : vector<16xi1>, vector<16xf32>
    %max3A_418 = arith.maximumf %max3A_415, %select_n3A_417 : vector<16xf32>
    %lt3A_419 = arith.cmpf olt, %get3A_378, %max3A_410 : vector<16xf32>
    %select_n3A_420 = arith.select %lt3A_419, %get3A_378, %broadcast_in_dim3A_412 : vector<16xi1>, vector<16xf32>
    %max3A_421 = arith.maximumf %max3A_418, %select_n3A_420 : vector<16xf32>
    %lt3A_422 = arith.cmpf olt, %get3A_383, %max3A_410 : vector<16xf32>
    %select_n3A_423 = arith.select %lt3A_422, %get3A_383, %broadcast_in_dim3A_412 : vector<16xi1>, vector<16xf32>
    %max3A_424 = arith.maximumf %max3A_421, %select_n3A_423 : vector<16xf32>
    %lt3A_425 = arith.cmpf olt, %get3A_388, %max3A_410 : vector<16xf32>
    %select_n3A_426 = arith.select %lt3A_425, %get3A_388, %broadcast_in_dim3A_412 : vector<16xi1>, vector<16xf32>
    %max3A_427 = arith.maximumf %max3A_424, %select_n3A_426 : vector<16xf32>
    %lt3A_428 = arith.cmpf olt, %get3A_393, %max3A_410 : vector<16xf32>
    %select_n3A_429 = arith.select %lt3A_428, %get3A_393, %broadcast_in_dim3A_412 : vector<16xi1>, vector<16xf32>
    %max3A_430 = arith.maximumf %max3A_427, %select_n3A_429 : vector<16xf32>
    %lt3A_431 = arith.cmpf olt, %get3A_398, %max3A_410 : vector<16xf32>
    %select_n3A_432 = arith.select %lt3A_431, %get3A_398, %broadcast_in_dim3A_412 : vector<16xi1>, vector<16xf32>
    %max3A_433 = arith.maximumf %max3A_430, %select_n3A_432 : vector<16xf32>
    %lt3A_434 = arith.cmpf olt, %get3A_403, %max3A_410 : vector<16xf32>
    %select_n3A_435 = arith.select %lt3A_434, %get3A_403, %broadcast_in_dim3A_412 : vector<16xi1>, vector<16xf32>
    %max3A_436 = arith.maximumf %max3A_433, %select_n3A_435 : vector<16xf32>
    %ge3A_437 = arith.cmpf oge, %get3A_368, %max3A_436 : vector<16xf32>
    %sub3A_438 = arith.subf %get3A_368, %max3A_410 : vector<16xf32>
    %exp3A_439 = math.exp %sub3A_438 : vector<16xf32>
    %jit3A_440 = arith.constant 0.000000e+00 : f32
    %broadcast_in_dim3A_441 = vector.broadcast %jit3A_440 : f32 to vector<16xf32>
    %select_n3A_442 = arith.select %ge3A_437, %exp3A_439, %broadcast_in_dim3A_441 : vector<16xi1>, vector<16xf32>
    %ge3A_443 = arith.cmpf oge, %get3A_373, %max3A_436 : vector<16xf32>
    %sub3A_444 = arith.subf %get3A_373, %max3A_410 : vector<16xf32>
    %exp3A_445 = math.exp %sub3A_444 : vector<16xf32>
    %jit3A_446 = arith.constant 0.000000e+00 : f32
    %broadcast_in_dim3A_447 = vector.broadcast %jit3A_446 : f32 to vector<16xf32>
    %select_n3A_448 = arith.select %ge3A_443, %exp3A_445, %broadcast_in_dim3A_447 : vector<16xi1>, vector<16xf32>
    %ge3A_449 = arith.cmpf oge, %get3A_378, %max3A_436 : vector<16xf32>
    %sub3A_450 = arith.subf %get3A_378, %max3A_410 : vector<16xf32>
    %exp3A_451 = math.exp %sub3A_450 : vector<16xf32>
    %jit3A_452 = arith.constant 0.000000e+00 : f32
    %broadcast_in_dim3A_453 = vector.broadcast %jit3A_452 : f32 to vector<16xf32>
    %select_n3A_454 = arith.select %ge3A_449, %exp3A_451, %broadcast_in_dim3A_453 : vector<16xi1>, vector<16xf32>
    %ge3A_455 = arith.cmpf oge, %get3A_383, %max3A_436 : vector<16xf32>
    %sub3A_456 = arith.subf %get3A_383, %max3A_410 : vector<16xf32>
    %exp3A_457 = math.exp %sub3A_456 : vector<16xf32>
    %jit3A_458 = arith.constant 0.000000e+00 : f32
    %broadcast_in_dim3A_459 = vector.broadcast %jit3A_458 : f32 to vector<16xf32>
    %select_n3A_460 = arith.select %ge3A_455, %exp3A_457, %broadcast_in_dim3A_459 : vector<16xi1>, vector<16xf32>
    %ge3A_461 = arith.cmpf oge, %get3A_388, %max3A_436 : vector<16xf32>
    %sub3A_462 = arith.subf %get3A_388, %max3A_410 : vector<16xf32>
    %exp3A_463 = math.exp %sub3A_462 : vector<16xf32>
    %jit3A_464 = arith.constant 0.000000e+00 : f32
    %broadcast_in_dim3A_465 = vector.broadcast %jit3A_464 : f32 to vector<16xf32>
    %select_n3A_466 = arith.select %ge3A_461, %exp3A_463, %broadcast_in_dim3A_465 : vector<16xi1>, vector<16xf32>
    %ge3A_467 = arith.cmpf oge, %get3A_393, %max3A_436 : vector<16xf32>
    %sub3A_468 = arith.subf %get3A_393, %max3A_410 : vector<16xf32>
    %exp3A_469 = math.exp %sub3A_468 : vector<16xf32>
    %jit3A_470 = arith.constant 0.000000e+00 : f32
    %broadcast_in_dim3A_471 = vector.broadcast %jit3A_470 : f32 to vector<16xf32>
    %select_n3A_472 = arith.select %ge3A_467, %exp3A_469, %broadcast_in_dim3A_471 : vector<16xi1>, vector<16xf32>
    %ge3A_473 = arith.cmpf oge, %get3A_398, %max3A_436 : vector<16xf32>
    %sub3A_474 = arith.subf %get3A_398, %max3A_410 : vector<16xf32>
    %exp3A_475 = math.exp %sub3A_474 : vector<16xf32>
    %jit3A_476 = arith.constant 0.000000e+00 : f32
    %broadcast_in_dim3A_477 = vector.broadcast %jit3A_476 : f32 to vector<16xf32>
    %select_n3A_478 = arith.select %ge3A_473, %exp3A_475, %broadcast_in_dim3A_477 : vector<16xi1>, vector<16xf32>
    %ge3A_479 = arith.cmpf oge, %get3A_403, %max3A_436 : vector<16xf32>
    %sub3A_480 = arith.subf %get3A_403, %max3A_410 : vector<16xf32>
    %exp3A_481 = math.exp %sub3A_480 : vector<16xf32>
    %jit3A_482 = arith.constant 0.000000e+00 : f32
    %broadcast_in_dim3A_483 = vector.broadcast %jit3A_482 : f32 to vector<16xf32>
    %select_n3A_484 = arith.select %ge3A_479, %exp3A_481, %broadcast_in_dim3A_483 : vector<16xi1>, vector<16xf32>
    %add3A_485 = arith.addf %select_n3A_442, %select_n3A_448 : vector<16xf32>
    %add3A_486 = arith.addf %add3A_485, %select_n3A_454 : vector<16xf32>
    %add3A_487 = arith.addf %add3A_486, %select_n3A_460 : vector<16xf32>
    %add3A_488 = arith.addf %add3A_487, %select_n3A_466 : vector<16xf32>
    %add3A_489 = arith.addf %add3A_488, %select_n3A_472 : vector<16xf32>
    %add3A_490 = arith.addf %add3A_489, %select_n3A_478 : vector<16xf32>
    %add3A_491 = arith.addf %add3A_490, %select_n3A_484 : vector<16xf32>
    %div3A_492 = arith.constant 1.000000e+00 : f32
    %div3A_493 = vector.broadcast %div3A_492 : f32 to vector<16xf32>
    %div3A_494 = arith.divf %div3A_493, %add3A_491 : vector<16xf32>
    %mul3A_495 = arith.mulf %select_n3A_442, %div3A_494 : vector<16xf32>
    %swap3A_496 = arith.constant 0 : i32
    %swap3A_497 = arith.index_cast %swap3A_496 : i32 to index
    %swap3A_498 = arith.constant 32 : index
    %swap3A_499 = tpu.vector_load %arg5[%swap3A_497, %swap3A_498] {strides = array<i32>} : memref<8x128xf32, #tpu.memory_space<vmem>>, vector<1x16xf32>,
    %swap3A_500 = vector.shape_cast %swap3A_499 : vector<1x16xf32> to vector<16xf32>
    %swap3A_501 = vector.shape_cast %mul3A_495 : vector<16xf32> to vector<1x16xf32>
    tpu.vector_store %arg5[%swap3A_497, %swap3A_498], %swap3A_501 {strides = array<i32>} : memref<8x128xf32, #tpu.memory_space<vmem>>, vector<1x16xf32>,
    %mul3A_502 = arith.mulf %select_n3A_448, %div3A_494 : vector<16xf32>
    %swap3A_503 = arith.constant 1 : i32
    %swap3A_504 = arith.index_cast %swap3A_503 : i32 to index
    %swap3A_505 = arith.constant 32 : index
    %swap3A_506 = tpu.vector_load %arg5[%swap3A_504, %swap3A_505] {strides = array<i32>} : memref<8x128xf32, #tpu.memory_space<vmem>>, vector<1x16xf32>,
    %swap3A_507 = vector.shape_cast %swap3A_506 : vector<1x16xf32> to vector<16xf32>
    %swap3A_508 = vector.shape_cast %mul3A_502 : vector<16xf32> to vector<1x16xf32>
    tpu.vector_store %arg5[%swap3A_504, %swap3A_505], %swap3A_508 {strides = array<i32>} : memref<8x128xf32, #tpu.memory_space<vmem>>, vector<1x16xf32>,
    %mul3A_509 = arith.mulf %select_n3A_454, %div3A_494 : vector<16xf32>
    %swap3A_510 = arith.constant 2 : i32
    %swap3A_511 = arith.index_cast %swap3A_510 : i32 to index
    %swap3A_512 = arith.constant 32 : index
    %swap3A_513 = tpu.vector_load %arg5[%swap3A_511, %swap3A_512] {strides = array<i32>} : memref<8x128xf32, #tpu.memory_space<vmem>>, vector<1x16xf32>,
    %swap3A_514 = vector.shape_cast %swap3A_513 : vector<1x16xf32> to vector<16xf32>
    %swap3A_515 = vector.shape_cast %mul3A_509 : vector<16xf32> to vector<1x16xf32>
    tpu.vector_store %arg5[%swap3A_511, %swap3A_512], %swap3A_515 {strides = array<i32>} : memref<8x128xf32, #tpu.memory_space<vmem>>, vector<1x16xf32>,
    %mul3A_516 = arith.mulf %select_n3A_460, %div3A_494 : vector<16xf32>
    %swap3A_517 = arith.constant 3 : i32
    %swap3A_518 = arith.index_cast %swap3A_517 : i32 to index
    %swap3A_519 = arith.constant 32 : index
    %swap3A_520 = tpu.vector_load %arg5[%swap3A_518, %swap3A_519] {strides = array<i32>} : memref<8x128xf32, #tpu.memory_space<vmem>>, vector<1x16xf32>,
    %swap3A_521 = vector.shape_cast %swap3A_520 : vector<1x16xf32> to vector<16xf32>
    %swap3A_522 = vector.shape_cast %mul3A_516 : vector<16xf32> to vector<1x16xf32>
    tpu.vector_store %arg5[%swap3A_518, %swap3A_519], %swap3A_522 {strides = array<i32>} : memref<8x128xf32, #tpu.memory_space<vmem>>, vector<1x16xf32>,
    %mul3A_523 = arith.mulf %select_n3A_466, %div3A_494 : vector<16xf32>
    %swap3A_524 = arith.constant 4 : i32
    %swap3A_525 = arith.index_cast %swap3A_524 : i32 to index
    %swap3A_526 = arith.constant 32 : index
    %swap3A_527 = tpu.vector_load %arg5[%swap3A_525, %swap3A_526] {strides = array<i32>} : memref<8x128xf32, #tpu.memory_space<vmem>>, vector<1x16xf32>,
    %swap3A_528 = vector.shape_cast %swap3A_527 : vector<1x16xf32> to vector<16xf32>
    %swap3A_529 = vector.shape_cast %mul3A_523 : vector<16xf32> to vector<1x16xf32>
    tpu.vector_store %arg5[%swap3A_525, %swap3A_526], %swap3A_529 {strides = array<i32>} : memref<8x128xf32, #tpu.memory_space<vmem>>, vector<1x16xf32>,
    %mul3A_530 = arith.mulf %select_n3A_472, %div3A_494 : vector<16xf32>
    %swap3A_531 = arith.constant 5 : i32
    %swap3A_532 = arith.index_cast %swap3A_531 : i32 to index
    %swap3A_533 = arith.constant 32 : index
    %swap3A_534 = tpu.vector_load %arg5[%swap3A_532, %swap3A_533] {strides = array<i32>} : memref<8x128xf32, #tpu.memory_space<vmem>>, vector<1x16xf32>,
    %swap3A_535 = vector.shape_cast %swap3A_534 : vector<1x16xf32> to vector<16xf32>
    %swap3A_536 = vector.shape_cast %mul3A_530 : vector<16xf32> to vector<1x16xf32>
    tpu.vector_store %arg5[%swap3A_532, %swap3A_533], %swap3A_536 {strides = array<i32>} : memref<8x128xf32, #tpu.memory_space<vmem>>, vector<1x16xf32>,
    %mul3A_537 = arith.mulf %select_n3A_478, %div3A_494 : vector<16xf32>
    %swap3A_538 = arith.constant 6 : i32
    %swap3A_539 = arith.index_cast %swap3A_538 : i32 to index
    %swap3A_540 = arith.constant 32 : index
    %swap3A_541 = tpu.vector_load %arg5[%swap3A_539, %swap3A_540] {strides = array<i32>} : memref<8x128xf32, #tpu.memory_space<vmem>>, vector<1x16xf32>,
    %swap3A_542 = vector.shape_cast %swap3A_541 : vector<1x16xf32> to vector<16xf32>
    %swap3A_543 = vector.shape_cast %mul3A_537 : vector<16xf32> to vector<1x16xf32>
    tpu.vector_store %arg5[%swap3A_539, %swap3A_540], %swap3A_543 {strides = array<i32>} : memref<8x128xf32, #tpu.memory_space<vmem>>, vector<1x16xf32>,
    %mul3A_544 = arith.mulf %select_n3A_484, %div3A_494 : vector<16xf32>
    %swap3A_545 = arith.constant 7 : i32
    %swap3A_546 = arith.index_cast %swap3A_545 : i32 to index
    %swap3A_547 = arith.constant 32 : index
    %swap3A_548 = tpu.vector_load %arg5[%swap3A_546, %swap3A_547] {strides = array<i32>} : memref<8x128xf32, #tpu.memory_space<vmem>>, vector<1x16xf32>,
    %swap3A_549 = vector.shape_cast %swap3A_548 : vector<1x16xf32> to vector<16xf32>
    %swap3A_550 = vector.shape_cast %mul3A_544 : vector<16xf32> to vector<1x16xf32>
    tpu.vector_store %arg5[%swap3A_546, %swap3A_547], %swap3A_550 {strides = array<i32>} : memref<8x128xf32, #tpu.memory_space<vmem>>, vector<1x16xf32>,
    %get3A_551 = arith.constant 0 : i32
    %get3A_552 = arith.index_cast %get3A_551 : i32 to index
    %get3A_553 = arith.constant 48 : index
    %get3A_554 = tpu.vector_load %arg4[%get3A_552, %get3A_553] {strides = array<i32>} : memref<8x128xf32, #tpu.memory_space<vmem>>, vector<1x16xf32>,
    %get3A_555 = vector.shape_cast %get3A_554 : vector<1x16xf32> to vector<16xf32>
    %get3A_556 = arith.constant 1 : i32
    %get3A_557 = arith.index_cast %get3A_556 : i32 to index
    %get3A_558 = arith.constant 48 : index
    %get3A_559 = tpu.vector_load %arg4[%get3A_557, %get3A_558] {strides = array<i32>} : memref<8x128xf32, #tpu.memory_space<vmem>>, vector<1x16xf32>,
    %get3A_560 = vector.shape_cast %get3A_559 : vector<1x16xf32> to vector<16xf32>
    %get3A_561 = arith.constant 2 : i32
    %get3A_562 = arith.index_cast %get3A_561 : i32 to index
    %get3A_563 = arith.constant 48 : index
    %get3A_564 = tpu.vector_load %arg4[%get3A_562, %get3A_563] {strides = array<i32>} : memref<8x128xf32, #tpu.memory_space<vmem>>, vector<1x16xf32>,
    %get3A_565 = vector.shape_cast %get3A_564 : vector<1x16xf32> to vector<16xf32>
    %get3A_566 = arith.constant 3 : i32
    %get3A_567 = arith.index_cast %get3A_566 : i32 to index
    %get3A_568 = arith.constant 48 : index
    %get3A_569 = tpu.vector_load %arg4[%get3A_567, %get3A_568] {strides = array<i32>} : memref<8x128xf32, #tpu.memory_space<vmem>>, vector<1x16xf32>,
    %get3A_570 = vector.shape_cast %get3A_569 : vector<1x16xf32> to vector<16xf32>
    %get3A_571 = arith.constant 4 : i32
    %get3A_572 = arith.index_cast %get3A_571 : i32 to index
    %get3A_573 = arith.constant 48 : index
    %get3A_574 = tpu.vector_load %arg4[%get3A_572, %get3A_573] {strides = array<i32>} : memref<8x128xf32, #tpu.memory_space<vmem>>, vector<1x16xf32>,
    %get3A_575 = vector.shape_cast %get3A_574 : vector<1x16xf32> to vector<16xf32>
    %get3A_576 = arith.constant 5 : i32
    %get3A_577 = arith.index_cast %get3A_576 : i32 to index
    %get3A_578 = arith.constant 48 : index
    %get3A_579 = tpu.vector_load %arg4[%get3A_577, %get3A_578] {strides = array<i32>} : memref<8x128xf32, #tpu.memory_space<vmem>>, vector<1x16xf32>,
    %get3A_580 = vector.shape_cast %get3A_579 : vector<1x16xf32> to vector<16xf32>
    %get3A_581 = arith.constant 6 : i32
    %get3A_582 = arith.index_cast %get3A_581 : i32 to index
    %get3A_583 = arith.constant 48 : index
    %get3A_584 = tpu.vector_load %arg4[%get3A_582, %get3A_583] {strides = array<i32>} : memref<8x128xf32, #tpu.memory_space<vmem>>, vector<1x16xf32>,
    %get3A_585 = vector.shape_cast %get3A_584 : vector<1x16xf32> to vector<16xf32>
    %get3A_586 = arith.constant 7 : i32
    %get3A_587 = arith.index_cast %get3A_586 : i32 to index
    %get3A_588 = arith.constant 48 : index
    %get3A_589 = tpu.vector_load %arg4[%get3A_587, %get3A_588] {strides = array<i32>} : memref<8x128xf32, #tpu.memory_space<vmem>>, vector<1x16xf32>,
    %get3A_590 = vector.shape_cast %get3A_589 : vector<1x16xf32> to vector<16xf32>
    %max3A_591 = arith.maximumf %get3A_555, %get3A_560 : vector<16xf32>
    %max3A_592 = arith.maximumf %max3A_591, %get3A_565 : vector<16xf32>
    %max3A_593 = arith.maximumf %max3A_592, %get3A_570 : vector<16xf32>
    %max3A_594 = arith.maximumf %max3A_593, %get3A_575 : vector<16xf32>
    %max3A_595 = arith.maximumf %max3A_594, %get3A_580 : vector<16xf32>
    %max3A_596 = arith.maximumf %max3A_595, %get3A_585 : vector<16xf32>
    %max3A_597 = arith.maximumf %max3A_596, %get3A_590 : vector<16xf32>
    %broadcast_in_dim3A_598 = arith.constant 0xFF800000 : f32
    %broadcast_in_dim3A_599 = vector.broadcast %broadcast_in_dim3A_598 : f32 to vector<16xf32>
    %lt3A_600 = arith.cmpf olt, %get3A_555, %max3A_597 : vector<16xf32>
    %select_n3A_601 = arith.select %lt3A_600, %get3A_555, %broadcast_in_dim3A_599 : vector<16xi1>, vector<16xf32>
    %max3A_602 = arith.maximumf %broadcast_in_dim3A_599, %select_n3A_601 : vector<16xf32>
    %lt3A_603 = arith.cmpf olt, %get3A_560, %max3A_597 : vector<16xf32>
    %select_n3A_604 = arith.select %lt3A_603, %get3A_560, %broadcast_in_dim3A_599 : vector<16xi1>, vector<16xf32>
    %max3A_605 = arith.maximumf %max3A_602, %select_n3A_604 : vector<16xf32>
    %lt3A_606 = arith.cmpf olt, %get3A_565, %max3A_597 : vector<16xf32>
    %select_n3A_607 = arith.select %lt3A_606, %get3A_565, %broadcast_in_dim3A_599 : vector<16xi1>, vector<16xf32>
    %max3A_608 = arith.maximumf %max3A_605, %select_n3A_607 : vector<16xf32>
    %lt3A_609 = arith.cmpf olt, %get3A_570, %max3A_597 : vector<16xf32>
    %select_n3A_610 = arith.select %lt3A_609, %get3A_570, %broadcast_in_dim3A_599 : vector<16xi1>, vector<16xf32>
    %max3A_611 = arith.maximumf %max3A_608, %select_n3A_610 : vector<16xf32>
    %lt3A_612 = arith.cmpf olt, %get3A_575, %max3A_597 : vector<16xf32>
    %select_n3A_613 = arith.select %lt3A_612, %get3A_575, %broadcast_in_dim3A_599 : vector<16xi1>, vector<16xf32>
    %max3A_614 = arith.maximumf %max3A_611, %select_n3A_613 : vector<16xf32>
    %lt3A_615 = arith.cmpf olt, %get3A_580, %max3A_597 : vector<16xf32>
    %select_n3A_616 = arith.select %lt3A_615, %get3A_580, %broadcast_in_dim3A_599 : vector<16xi1>, vector<16xf32>
    %max3A_617 = arith.maximumf %max3A_614, %select_n3A_616 : vector<16xf32>
    %lt3A_618 = arith.cmpf olt, %get3A_585, %max3A_597 : vector<16xf32>
    %select_n3A_619 = arith.select %lt3A_618, %get3A_585, %broadcast_in_dim3A_599 : vector<16xi1>, vector<16xf32>
    %max3A_620 = arith.maximumf %max3A_617, %select_n3A_619 : vector<16xf32>
    %lt3A_621 = arith.cmpf olt, %get3A_590, %max3A_597 : vector<16xf32>
    %select_n3A_622 = arith.select %lt3A_621, %get3A_590, %broadcast_in_dim3A_599 : vector<16xi1>, vector<16xf32>
    %max3A_623 = arith.maximumf %max3A_620, %select_n3A_622 : vector<16xf32>
    %ge3A_624 = arith.cmpf oge, %get3A_555, %max3A_623 : vector<16xf32>
    %sub3A_625 = arith.subf %get3A_555, %max3A_597 : vector<16xf32>
    %exp3A_626 = math.exp %sub3A_625 : vector<16xf32>
    %jit3A_627 = arith.constant 0.000000e+00 : f32
    %broadcast_in_dim3A_628 = vector.broadcast %jit3A_627 : f32 to vector<16xf32>
    %select_n3A_629 = arith.select %ge3A_624, %exp3A_626, %broadcast_in_dim3A_628 : vector<16xi1>, vector<16xf32>
    %ge3A_630 = arith.cmpf oge, %get3A_560, %max3A_623 : vector<16xf32>
    %sub3A_631 = arith.subf %get3A_560, %max3A_597 : vector<16xf32>
    %exp3A_632 = math.exp %sub3A_631 : vector<16xf32>
    %jit3A_633 = arith.constant 0.000000e+00 : f32
    %broadcast_in_dim3A_634 = vector.broadcast %jit3A_633 : f32 to vector<16xf32>
    %select_n3A_635 = arith.select %ge3A_630, %exp3A_632, %broadcast_in_dim3A_634 : vector<16xi1>, vector<16xf32>
    %ge3A_636 = arith.cmpf oge, %get3A_565, %max3A_623 : vector<16xf32>
    %sub3A_637 = arith.subf %get3A_565, %max3A_597 : vector<16xf32>
    %exp3A_638 = math.exp %sub3A_637 : vector<16xf32>
    %jit3A_639 = arith.constant 0.000000e+00 : f32
    %broadcast_in_dim3A_640 = vector.broadcast %jit3A_639 : f32 to vector<16xf32>
    %select_n3A_641 = arith.select %ge3A_636, %exp3A_638, %broadcast_in_dim3A_640 : vector<16xi1>, vector<16xf32>
    %ge3A_642 = arith.cmpf oge, %get3A_570, %max3A_623 : vector<16xf32>
    %sub3A_643 = arith.subf %get3A_570, %max3A_597 : vector<16xf32>
    %exp3A_644 = math.exp %sub3A_643 : vector<16xf32>
    %jit3A_645 = arith.constant 0.000000e+00 : f32
    %broadcast_in_dim3A_646 = vector.broadcast %jit3A_645 : f32 to vector<16xf32>
    %select_n3A_647 = arith.select %ge3A_642, %exp3A_644, %broadcast_in_dim3A_646 : vector<16xi1>, vector<16xf32>
    %ge3A_648 = arith.cmpf oge, %get3A_575, %max3A_623 : vector<16xf32>
    %sub3A_649 = arith.subf %get3A_575, %max3A_597 : vector<16xf32>
    %exp3A_650 = math.exp %sub3A_649 : vector<16xf32>
    %jit3A_651 = arith.constant 0.000000e+00 : f32
    %broadcast_in_dim3A_652 = vector.broadcast %jit3A_651 : f32 to vector<16xf32>
    %select_n3A_653 = arith.select %ge3A_648, %exp3A_650, %broadcast_in_dim3A_652 : vector<16xi1>, vector<16xf32>
    %ge3A_654 = arith.cmpf oge, %get3A_580, %max3A_623 : vector<16xf32>
    %sub3A_655 = arith.subf %get3A_580, %max3A_597 : vector<16xf32>
    %exp3A_656 = math.exp %sub3A_655 : vector<16xf32>
    %jit3A_657 = arith.constant 0.000000e+00 : f32
    %broadcast_in_dim3A_658 = vector.broadcast %jit3A_657 : f32 to vector<16xf32>
    %select_n3A_659 = arith.select %ge3A_654, %exp3A_656, %broadcast_in_dim3A_658 : vector<16xi1>, vector<16xf32>
    %ge3A_660 = arith.cmpf oge, %get3A_585, %max3A_623 : vector<16xf32>
    %sub3A_661 = arith.subf %get3A_585, %max3A_597 : vector<16xf32>
    %exp3A_662 = math.exp %sub3A_661 : vector<16xf32>
    %jit3A_663 = arith.constant 0.000000e+00 : f32
    %broadcast_in_dim3A_664 = vector.broadcast %jit3A_663 : f32 to vector<16xf32>
    %select_n3A_665 = arith.select %ge3A_660, %exp3A_662, %broadcast_in_dim3A_664 : vector<16xi1>, vector<16xf32>
    %ge3A_666 = arith.cmpf oge, %get3A_590, %max3A_623 : vector<16xf32>
    %sub3A_667 = arith.subf %get3A_590, %max3A_597 : vector<16xf32>
    %exp3A_668 = math.exp %sub3A_667 : vector<16xf32>
    %jit3A_669 = arith.constant 0.000000e+00 : f32
    %broadcast_in_dim3A_670 = vector.broadcast %jit3A_669 : f32 to vector<16xf32>
    %select_n3A_671 = arith.select %ge3A_666, %exp3A_668, %broadcast_in_dim3A_670 : vector<16xi1>, vector<16xf32>
    %add3A_672 = arith.addf %select_n3A_629, %select_n3A_635 : vector<16xf32>
    %add3A_673 = arith.addf %add3A_672, %select_n3A_641 : vector<16xf32>
    %add3A_674 = arith.addf %add3A_673, %select_n3A_647 : vector<16xf32>
    %add3A_675 = arith.addf %add3A_674, %select_n3A_653 : vector<16xf32>
    %add3A_676 = arith.addf %add3A_675, %select_n3A_659 : vector<16xf32>
    %add3A_677 = arith.addf %add3A_676, %select_n3A_665 : vector<16xf32>
    %add3A_678 = arith.addf %add3A_677, %select_n3A_671 : vector<16xf32>
    %div3A_679 = arith.constant 1.000000e+00 : f32
    %div3A_680 = vector.broadcast %div3A_679 : f32 to vector<16xf32>
    %div3A_681 = arith.divf %div3A_680, %add3A_678 : vector<16xf32>
    %mul3A_682 = arith.mulf %select_n3A_629, %div3A_681 : vector<16xf32>
    %swap3A_683 = arith.constant 0 : i32
    %swap3A_684 = arith.index_cast %swap3A_683 : i32 to index
    %swap3A_685 = arith.constant 48 : index
    %swap3A_686 = tpu.vector_load %arg5[%swap3A_684, %swap3A_685] {strides = array<i32>} : memref<8x128xf32, #tpu.memory_space<vmem>>, vector<1x16xf32>,
    %swap3A_687 = vector.shape_cast %swap3A_686 : vector<1x16xf32> to vector<16xf32>
    %swap3A_688 = vector.shape_cast %mul3A_682 : vector<16xf32> to vector<1x16xf32>
    tpu.vector_store %arg5[%swap3A_684, %swap3A_685], %swap3A_688 {strides = array<i32>} : memref<8x128xf32, #tpu.memory_space<vmem>>, vector<1x16xf32>,
    %mul3A_689 = arith.mulf %select_n3A_635, %div3A_681 : vector<16xf32>
    %swap3A_690 = arith.constant 1 : i32
    %swap3A_691 = arith.index_cast %swap3A_690 : i32 to index
    %swap3A_692 = arith.constant 48 : index
    %swap3A_693 = tpu.vector_load %arg5[%swap3A_691, %swap3A_692] {strides = array<i32>} : memref<8x128xf32, #tpu.memory_space<vmem>>, vector<1x16xf32>,
    %swap3A_694 = vector.shape_cast %swap3A_693 : vector<1x16xf32> to vector<16xf32>
    %swap3A_695 = vector.shape_cast %mul3A_689 : vector<16xf32> to vector<1x16xf32>
    tpu.vector_store %arg5[%swap3A_691, %swap3A_692], %swap3A_695 {strides = array<i32>} : memref<8x128xf32, #tpu.memory_space<vmem>>, vector<1x16xf32>,
    %mul3A_696 = arith.mulf %select_n3A_641, %div3A_681 : vector<16xf32>
    %swap3A_697 = arith.constant 2 : i32
    %swap3A_698 = arith.index_cast %swap3A_697 : i32 to index
    %swap3A_699 = arith.constant 48 : index
    %swap3A_700 = tpu.vector_load %arg5[%swap3A_698, %swap3A_699] {strides = array<i32>} : memref<8x128xf32, #tpu.memory_space<vmem>>, vector<1x16xf32>,
    %swap3A_701 = vector.shape_cast %swap3A_700 : vector<1x16xf32> to vector<16xf32>
    %swap3A_702 = vector.shape_cast %mul3A_696 : vector<16xf32> to vector<1x16xf32>
    tpu.vector_store %arg5[%swap3A_698, %swap3A_699], %swap3A_702 {strides = array<i32>} : memref<8x128xf32, #tpu.memory_space<vmem>>, vector<1x16xf32>,
    %mul3A_703 = arith.mulf %select_n3A_647, %div3A_681 : vector<16xf32>
    %swap3A_704 = arith.constant 3 : i32
    %swap3A_705 = arith.index_cast %swap3A_704 : i32 to index
    %swap3A_706 = arith.constant 48 : index
    %swap3A_707 = tpu.vector_load %arg5[%swap3A_705, %swap3A_706] {strides = array<i32>} : memref<8x128xf32, #tpu.memory_space<vmem>>, vector<1x16xf32>,
    %swap3A_708 = vector.shape_cast %swap3A_707 : vector<1x16xf32> to vector<16xf32>
    %swap3A_709 = vector.shape_cast %mul3A_703 : vector<16xf32> to vector<1x16xf32>
    tpu.vector_store %arg5[%swap3A_705, %swap3A_706], %swap3A_709 {strides = array<i32>} : memref<8x128xf32, #tpu.memory_space<vmem>>, vector<1x16xf32>,
    %mul3A_710 = arith.mulf %select_n3A_653, %div3A_681 : vector<16xf32>
    %swap3A_711 = arith.constant 4 : i32
    %swap3A_712 = arith.index_cast %swap3A_711 : i32 to index
    %swap3A_713 = arith.constant 48 : index
    %swap3A_714 = tpu.vector_load %arg5[%swap3A_712, %swap3A_713] {strides = array<i32>} : memref<8x128xf32, #tpu.memory_space<vmem>>, vector<1x16xf32>,
    %swap3A_715 = vector.shape_cast %swap3A_714 : vector<1x16xf32> to vector<16xf32>
    %swap3A_716 = vector.shape_cast %mul3A_710 : vector<16xf32> to vector<1x16xf32>
    tpu.vector_store %arg5[%swap3A_712, %swap3A_713], %swap3A_716 {strides = array<i32>} : memref<8x128xf32, #tpu.memory_space<vmem>>, vector<1x16xf32>,
    %mul3A_717 = arith.mulf %select_n3A_659, %div3A_681 : vector<16xf32>
    %swap3A_718 = arith.constant 5 : i32
    %swap3A_719 = arith.index_cast %swap3A_718 : i32 to index
    %swap3A_720 = arith.constant 48 : index
    %swap3A_721 = tpu.vector_load %arg5[%swap3A_719, %swap3A_720] {strides = array<i32>} : memref<8x128xf32, #tpu.memory_space<vmem>>, vector<1x16xf32>,
    %swap3A_722 = vector.shape_cast %swap3A_721 : vector<1x16xf32> to vector<16xf32>
    %swap3A_723 = vector.shape_cast %mul3A_717 : vector<16xf32> to vector<1x16xf32>
    tpu.vector_store %arg5[%swap3A_719, %swap3A_720], %swap3A_723 {strides = array<i32>} : memref<8x128xf32, #tpu.memory_space<vmem>>, vector<1x16xf32>,
    %mul3A_724 = arith.mulf %select_n3A_665, %div3A_681 : vector<16xf32>
    %swap3A_725 = arith.constant 6 : i32
    %swap3A_726 = arith.index_cast %swap3A_725 : i32 to index
    %swap3A_727 = arith.constant 48 : index
    %swap3A_728 = tpu.vector_load %arg5[%swap3A_726, %swap3A_727] {strides = array<i32>} : memref<8x128xf32, #tpu.memory_space<vmem>>, vector<1x16xf32>,
    %swap3A_729 = vector.shape_cast %swap3A_728 : vector<1x16xf32> to vector<16xf32>
    %swap3A_730 = vector.shape_cast %mul3A_724 : vector<16xf32> to vector<1x16xf32>
    tpu.vector_store %arg5[%swap3A_726, %swap3A_727], %swap3A_730 {strides = array<i32>} : memref<8x128xf32, #tpu.memory_space<vmem>>, vector<1x16xf32>,
    %mul3A_731 = arith.mulf %select_n3A_671, %div3A_681 : vector<16xf32>
    %swap3A_732 = arith.constant 7 : i32
    %swap3A_733 = arith.index_cast %swap3A_732 : i32 to index
    %swap3A_734 = arith.constant 48 : index
    %swap3A_735 = tpu.vector_load %arg5[%swap3A_733, %swap3A_734] {strides = array<i32>} : memref<8x128xf32, #tpu.memory_space<vmem>>, vector<1x16xf32>,
    %swap3A_736 = vector.shape_cast %swap3A_735 : vector<1x16xf32> to vector<16xf32>
    %swap3A_737 = vector.shape_cast %mul3A_731 : vector<16xf32> to vector<1x16xf32>
    tpu.vector_store %arg5[%swap3A_733, %swap3A_734], %swap3A_737 {strides = array<i32>} : memref<8x128xf32, #tpu.memory_space<vmem>>, vector<1x16xf32>,
    %get3A_738 = arith.constant 0 : i32
    %get3A_739 = arith.index_cast %get3A_738 : i32 to index
    %get3A_740 = arith.constant 64 : index
    %get3A_741 = tpu.vector_load %arg4[%get3A_739, %get3A_740] {strides = array<i32>} : memref<8x128xf32, #tpu.memory_space<vmem>>, vector<1x16xf32>,
    %get3A_742 = vector.shape_cast %get3A_741 : vector<1x16xf32> to vector<16xf32>
    %get3A_743 = arith.constant 1 : i32
    %get3A_744 = arith.index_cast %get3A_743 : i32 to index
    %get3A_745 = arith.constant 64 : index
    %get3A_746 = tpu.vector_load %arg4[%get3A_744, %get3A_745] {strides = array<i32>} : memref<8x128xf32, #tpu.memory_space<vmem>>, vector<1x16xf32>,
    %get3A_747 = vector.shape_cast %get3A_746 : vector<1x16xf32> to vector<16xf32>
    %get3A_748 = arith.constant 2 : i32
    %get3A_749 = arith.index_cast %get3A_748 : i32 to index
    %get3A_750 = arith.constant 64 : index
    %get3A_751 = tpu.vector_load %arg4[%get3A_749, %get3A_750] {strides = array<i32>} : memref<8x128xf32, #tpu.memory_space<vmem>>, vector<1x16xf32>,
    %get3A_752 = vector.shape_cast %get3A_751 : vector<1x16xf32> to vector<16xf32>
    %get3A_753 = arith.constant 3 : i32
    %get3A_754 = arith.index_cast %get3A_753 : i32 to index
    %get3A_755 = arith.constant 64 : index
    %get3A_756 = tpu.vector_load %arg4[%get3A_754, %get3A_755] {strides = array<i32>} : memref<8x128xf32, #tpu.memory_space<vmem>>, vector<1x16xf32>,
    %get3A_757 = vector.shape_cast %get3A_756 : vector<1x16xf32> to vector<16xf32>
    %get3A_758 = arith.constant 4 : i32
    %get3A_759 = arith.index_cast %get3A_758 : i32 to index
    %get3A_760 = arith.constant 64 : index
    %get3A_761 = tpu.vector_load %arg4[%get3A_759, %get3A_760] {strides = array<i32>} : memref<8x128xf32, #tpu.memory_space<vmem>>, vector<1x16xf32>,
    %get3A_762 = vector.shape_cast %get3A_761 : vector<1x16xf32> to vector<16xf32>
    %get3A_763 = arith.constant 5 : i32
    %get3A_764 = arith.index_cast %get3A_763 : i32 to index
    %get3A_765 = arith.constant 64 : index
    %get3A_766 = tpu.vector_load %arg4[%get3A_764, %get3A_765] {strides = array<i32>} : memref<8x128xf32, #tpu.memory_space<vmem>>, vector<1x16xf32>,
    %get3A_767 = vector.shape_cast %get3A_766 : vector<1x16xf32> to vector<16xf32>
    %get3A_768 = arith.constant 6 : i32
    %get3A_769 = arith.index_cast %get3A_768 : i32 to index
    %get3A_770 = arith.constant 64 : index
    %get3A_771 = tpu.vector_load %arg4[%get3A_769, %get3A_770] {strides = array<i32>} : memref<8x128xf32, #tpu.memory_space<vmem>>, vector<1x16xf32>,
    %get3A_772 = vector.shape_cast %get3A_771 : vector<1x16xf32> to vector<16xf32>
    %get3A_773 = arith.constant 7 : i32
    %get3A_774 = arith.index_cast %get3A_773 : i32 to index
    %get3A_775 = arith.constant 64 : index
    %get3A_776 = tpu.vector_load %arg4[%get3A_774, %get3A_775] {strides = array<i32>} : memref<8x128xf32, #tpu.memory_space<vmem>>, vector<1x16xf32>,
    %get3A_777 = vector.shape_cast %get3A_776 : vector<1x16xf32> to vector<16xf32>
    %max3A_778 = arith.maximumf %get3A_742, %get3A_747 : vector<16xf32>
    %max3A_779 = arith.maximumf %max3A_778, %get3A_752 : vector<16xf32>
    %max3A_780 = arith.maximumf %max3A_779, %get3A_757 : vector<16xf32>
    %max3A_781 = arith.maximumf %max3A_780, %get3A_762 : vector<16xf32>
    %max3A_782 = arith.maximumf %max3A_781, %get3A_767 : vector<16xf32>
    %max3A_783 = arith.maximumf %max3A_782, %get3A_772 : vector<16xf32>
    %max3A_784 = arith.maximumf %max3A_783, %get3A_777 : vector<16xf32>
    %broadcast_in_dim3A_785 = arith.constant 0xFF800000 : f32
    %broadcast_in_dim3A_786 = vector.broadcast %broadcast_in_dim3A_785 : f32 to vector<16xf32>
    %lt3A_787 = arith.cmpf olt, %get3A_742, %max3A_784 : vector<16xf32>
    %select_n3A_788 = arith.select %lt3A_787, %get3A_742, %broadcast_in_dim3A_786 : vector<16xi1>, vector<16xf32>
    %max3A_789 = arith.maximumf %broadcast_in_dim3A_786, %select_n3A_788 : vector<16xf32>
    %lt3A_790 = arith.cmpf olt, %get3A_747, %max3A_784 : vector<16xf32>
    %select_n3A_791 = arith.select %lt3A_790, %get3A_747, %broadcast_in_dim3A_786 : vector<16xi1>, vector<16xf32>
    %max3A_792 = arith.maximumf %max3A_789, %select_n3A_791 : vector<16xf32>
    %lt3A_793 = arith.cmpf olt, %get3A_752, %max3A_784 : vector<16xf32>
    %select_n3A_794 = arith.select %lt3A_793, %get3A_752, %broadcast_in_dim3A_786 : vector<16xi1>, vector<16xf32>
    %max3A_795 = arith.maximumf %max3A_792, %select_n3A_794 : vector<16xf32>
    %lt3A_796 = arith.cmpf olt, %get3A_757, %max3A_784 : vector<16xf32>
    %select_n3A_797 = arith.select %lt3A_796, %get3A_757, %broadcast_in_dim3A_786 : vector<16xi1>, vector<16xf32>
    %max3A_798 = arith.maximumf %max3A_795, %select_n3A_797 : vector<16xf32>
    %lt3A_799 = arith.cmpf olt, %get3A_762, %max3A_784 : vector<16xf32>
    %select_n3A_800 = arith.select %lt3A_799, %get3A_762, %broadcast_in_dim3A_786 : vector<16xi1>, vector<16xf32>
    %max3A_801 = arith.maximumf %max3A_798, %select_n3A_800 : vector<16xf32>
    %lt3A_802 = arith.cmpf olt, %get3A_767, %max3A_784 : vector<16xf32>
    %select_n3A_803 = arith.select %lt3A_802, %get3A_767, %broadcast_in_dim3A_786 : vector<16xi1>, vector<16xf32>
    %max3A_804 = arith.maximumf %max3A_801, %select_n3A_803 : vector<16xf32>
    %lt3A_805 = arith.cmpf olt, %get3A_772, %max3A_784 : vector<16xf32>
    %select_n3A_806 = arith.select %lt3A_805, %get3A_772, %broadcast_in_dim3A_786 : vector<16xi1>, vector<16xf32>
    %max3A_807 = arith.maximumf %max3A_804, %select_n3A_806 : vector<16xf32>
    %lt3A_808 = arith.cmpf olt, %get3A_777, %max3A_784 : vector<16xf32>
    %select_n3A_809 = arith.select %lt3A_808, %get3A_777, %broadcast_in_dim3A_786 : vector<16xi1>, vector<16xf32>
    %max3A_810 = arith.maximumf %max3A_807, %select_n3A_809 : vector<16xf32>
    %ge3A_811 = arith.cmpf oge, %get3A_742, %max3A_810 : vector<16xf32>
    %sub3A_812 = arith.subf %get3A_742, %max3A_784 : vector<16xf32>
    %exp3A_813 = math.exp %sub3A_812 : vector<16xf32>
    %jit3A_814 = arith.constant 0.000000e+00 : f32
    %broadcast_in_dim3A_815 = vector.broadcast %jit3A_814 : f32 to vector<16xf32>
    %select_n3A_816 = arith.select %ge3A_811, %exp3A_813, %broadcast_in_dim3A_815 : vector<16xi1>, vector<16xf32>
    %ge3A_817 = arith.cmpf oge, %get3A_747, %max3A_810 : vector<16xf32>
    %sub3A_818 = arith.subf %get3A_747, %max3A_784 : vector<16xf32>
    %exp3A_819 = math.exp %sub3A_818 : vector<16xf32>
    %jit3A_820 = arith.constant 0.000000e+00 : f32
    %broadcast_in_dim3A_821 = vector.broadcast %jit3A_820 : f32 to vector<16xf32>
    %select_n3A_822 = arith.select %ge3A_817, %exp3A_819, %broadcast_in_dim3A_821 : vector<16xi1>, vector<16xf32>
    %ge3A_823 = arith.cmpf oge, %get3A_752, %max3A_810 : vector<16xf32>
    %sub3A_824 = arith.subf %get3A_752, %max3A_784 : vector<16xf32>
    %exp3A_825 = math.exp %sub3A_824 : vector<16xf32>
    %jit3A_826 = arith.constant 0.000000e+00 : f32
    %broadcast_in_dim3A_827 = vector.broadcast %jit3A_826 : f32 to vector<16xf32>
    %select_n3A_828 = arith.select %ge3A_823, %exp3A_825, %broadcast_in_dim3A_827 : vector<16xi1>, vector<16xf32>
    %ge3A_829 = arith.cmpf oge, %get3A_757, %max3A_810 : vector<16xf32>
    %sub3A_830 = arith.subf %get3A_757, %max3A_784 : vector<16xf32>
    %exp3A_831 = math.exp %sub3A_830 : vector<16xf32>
    %jit3A_832 = arith.constant 0.000000e+00 : f32
    %broadcast_in_dim3A_833 = vector.broadcast %jit3A_832 : f32 to vector<16xf32>
    %select_n3A_834 = arith.select %ge3A_829, %exp3A_831, %broadcast_in_dim3A_833 : vector<16xi1>, vector<16xf32>
    %ge3A_835 = arith.cmpf oge, %get3A_762, %max3A_810 : vector<16xf32>
    %sub3A_836 = arith.subf %get3A_762, %max3A_784 : vector<16xf32>
    %exp3A_837 = math.exp %sub3A_836 : vector<16xf32>
    %jit3A_838 = arith.constant 0.000000e+00 : f32
    %broadcast_in_dim3A_839 = vector.broadcast %jit3A_838 : f32 to vector<16xf32>
    %select_n3A_840 = arith.select %ge3A_835, %exp3A_837, %broadcast_in_dim3A_839 : vector<16xi1>, vector<16xf32>
    %ge3A_841 = arith.cmpf oge, %get3A_767, %max3A_810 : vector<16xf32>
    %sub3A_842 = arith.subf %get3A_767, %max3A_784 : vector<16xf32>
    %exp3A_843 = math.exp %sub3A_842 : vector<16xf32>
    %jit3A_844 = arith.constant 0.000000e+00 : f32
    %broadcast_in_dim3A_845 = vector.broadcast %jit3A_844 : f32 to vector<16xf32>
    %select_n3A_846 = arith.select %ge3A_841, %exp3A_843, %broadcast_in_dim3A_845 : vector<16xi1>, vector<16xf32>
    %ge3A_847 = arith.cmpf oge, %get3A_772, %max3A_810 : vector<16xf32>
    %sub3A_848 = arith.subf %get3A_772, %max3A_784 : vector<16xf32>
    %exp3A_849 = math.exp %sub3A_848 : vector<16xf32>
    %jit3A_850 = arith.constant 0.000000e+00 : f32
    %broadcast_in_dim3A_851 = vector.broadcast %jit3A_850 : f32 to vector<16xf32>
    %select_n3A_852 = arith.select %ge3A_847, %exp3A_849, %broadcast_in_dim3A_851 : vector<16xi1>, vector<16xf32>
    %ge3A_853 = arith.cmpf oge, %get3A_777, %max3A_810 : vector<16xf32>
    %sub3A_854 = arith.subf %get3A_777, %max3A_784 : vector<16xf32>
    %exp3A_855 = math.exp %sub3A_854 : vector<16xf32>
    %jit3A_856 = arith.constant 0.000000e+00 : f32
    %broadcast_in_dim3A_857 = vector.broadcast %jit3A_856 : f32 to vector<16xf32>
    %select_n3A_858 = arith.select %ge3A_853, %exp3A_855, %broadcast_in_dim3A_857 : vector<16xi1>, vector<16xf32>
    %add3A_859 = arith.addf %select_n3A_816, %select_n3A_822 : vector<16xf32>
    %add3A_860 = arith.addf %add3A_859, %select_n3A_828 : vector<16xf32>
    %add3A_861 = arith.addf %add3A_860, %select_n3A_834 : vector<16xf32>
    %add3A_862 = arith.addf %add3A_861, %select_n3A_840 : vector<16xf32>
    %add3A_863 = arith.addf %add3A_862, %select_n3A_846 : vector<16xf32>
    %add3A_864 = arith.addf %add3A_863, %select_n3A_852 : vector<16xf32>
    %add3A_865 = arith.addf %add3A_864, %select_n3A_858 : vector<16xf32>
    %div3A_866 = arith.constant 1.000000e+00 : f32
    %div3A_867 = vector.broadcast %div3A_866 : f32 to vector<16xf32>
    %div3A_868 = arith.divf %div3A_867, %add3A_865 : vector<16xf32>
    %mul3A_869 = arith.mulf %select_n3A_816, %div3A_868 : vector<16xf32>
    %swap3A_870 = arith.constant 0 : i32
    %swap3A_871 = arith.index_cast %swap3A_870 : i32 to index
    %swap3A_872 = arith.constant 64 : index
    %swap3A_873 = tpu.vector_load %arg5[%swap3A_871, %swap3A_872] {strides = array<i32>} : memref<8x128xf32, #tpu.memory_space<vmem>>, vector<1x16xf32>,
    %swap3A_874 = vector.shape_cast %swap3A_873 : vector<1x16xf32> to vector<16xf32>
    %swap3A_875 = vector.shape_cast %mul3A_869 : vector<16xf32> to vector<1x16xf32>
    tpu.vector_store %arg5[%swap3A_871, %swap3A_872], %swap3A_875 {strides = array<i32>} : memref<8x128xf32, #tpu.memory_space<vmem>>, vector<1x16xf32>,
    %mul3A_876 = arith.mulf %select_n3A_822, %div3A_868 : vector<16xf32>
    %swap3A_877 = arith.constant 1 : i32
    %swap3A_878 = arith.index_cast %swap3A_877 : i32 to index
    %swap3A_879 = arith.constant 64 : index
    %swap3A_880 = tpu.vector_load %arg5[%swap3A_878, %swap3A_879] {strides = array<i32>} : memref<8x128xf32, #tpu.memory_space<vmem>>, vector<1x16xf32>,
    %swap3A_881 = vector.shape_cast %swap3A_880 : vector<1x16xf32> to vector<16xf32>
    %swap3A_882 = vector.shape_cast %mul3A_876 : vector<16xf32> to vector<1x16xf32>
    tpu.vector_store %arg5[%swap3A_878, %swap3A_879], %swap3A_882 {strides = array<i32>} : memref<8x128xf32, #tpu.memory_space<vmem>>, vector<1x16xf32>,
    %mul3A_883 = arith.mulf %select_n3A_828, %div3A_868 : vector<16xf32>
    %swap3A_884 = arith.constant 2 : i32
    %swap3A_885 = arith.index_cast %swap3A_884 : i32 to index
    %swap3A_886 = arith.constant 64 : index
    %swap3A_887 = tpu.vector_load %arg5[%swap3A_885, %swap3A_886] {strides = array<i32>} : memref<8x128xf32, #tpu.memory_space<vmem>>, vector<1x16xf32>,
    %swap3A_888 = vector.shape_cast %swap3A_887 : vector<1x16xf32> to vector<16xf32>
    %swap3A_889 = vector.shape_cast %mul3A_883 : vector<16xf32> to vector<1x16xf32>
    tpu.vector_store %arg5[%swap3A_885, %swap3A_886], %swap3A_889 {strides = array<i32>} : memref<8x128xf32, #tpu.memory_space<vmem>>, vector<1x16xf32>,
    %mul3A_890 = arith.mulf %select_n3A_834, %div3A_868 : vector<16xf32>
    %swap3A_891 = arith.constant 3 : i32
    %swap3A_892 = arith.index_cast %swap3A_891 : i32 to index
    %swap3A_893 = arith.constant 64 : index
    %swap3A_894 = tpu.vector_load %arg5[%swap3A_892, %swap3A_893] {strides = array<i32>} : memref<8x128xf32, #tpu.memory_space<vmem>>, vector<1x16xf32>,
    %swap3A_895 = vector.shape_cast %swap3A_894 : vector<1x16xf32> to vector<16xf32>
    %swap3A_896 = vector.shape_cast %mul3A_890 : vector<16xf32> to vector<1x16xf32>
    tpu.vector_store %arg5[%swap3A_892, %swap3A_893], %swap3A_896 {strides = array<i32>} : memref<8x128xf32, #tpu.memory_space<vmem>>, vector<1x16xf32>,
    %mul3A_897 = arith.mulf %select_n3A_840, %div3A_868 : vector<16xf32>
    %swap3A_898 = arith.constant 4 : i32
    %swap3A_899 = arith.index_cast %swap3A_898 : i32 to index
    %swap3A_900 = arith.constant 64 : index
    %swap3A_901 = tpu.vector_load %arg5[%swap3A_899, %swap3A_900] {strides = array<i32>} : memref<8x128xf32, #tpu.memory_space<vmem>>, vector<1x16xf32>,
    %swap3A_902 = vector.shape_cast %swap3A_901 : vector<1x16xf32> to vector<16xf32>
    %swap3A_903 = vector.shape_cast %mul3A_897 : vector<16xf32> to vector<1x16xf32>
    tpu.vector_store %arg5[%swap3A_899, %swap3A_900], %swap3A_903 {strides = array<i32>} : memref<8x128xf32, #tpu.memory_space<vmem>>, vector<1x16xf32>,
    %mul3A_904 = arith.mulf %select_n3A_846, %div3A_868 : vector<16xf32>
    %swap3A_905 = arith.constant 5 : i32
    %swap3A_906 = arith.index_cast %swap3A_905 : i32 to index
    %swap3A_907 = arith.constant 64 : index
    %swap3A_908 = tpu.vector_load %arg5[%swap3A_906, %swap3A_907] {strides = array<i32>} : memref<8x128xf32, #tpu.memory_space<vmem>>, vector<1x16xf32>,
    %swap3A_909 = vector.shape_cast %swap3A_908 : vector<1x16xf32> to vector<16xf32>
    %swap3A_910 = vector.shape_cast %mul3A_904 : vector<16xf32> to vector<1x16xf32>
    tpu.vector_store %arg5[%swap3A_906, %swap3A_907], %swap3A_910 {strides = array<i32>} : memref<8x128xf32, #tpu.memory_space<vmem>>, vector<1x16xf32>,
    %mul3A_911 = arith.mulf %select_n3A_852, %div3A_868 : vector<16xf32>
    %swap3A_912 = arith.constant 6 : i32
    %swap3A_913 = arith.index_cast %swap3A_912 : i32 to index
    %swap3A_914 = arith.constant 64 : index
    %swap3A_915 = tpu.vector_load %arg5[%swap3A_913, %swap3A_914] {strides = array<i32>} : memref<8x128xf32, #tpu.memory_space<vmem>>, vector<1x16xf32>,
    %swap3A_916 = vector.shape_cast %swap3A_915 : vector<1x16xf32> to vector<16xf32>
    %swap3A_917 = vector.shape_cast %mul3A_911 : vector<16xf32> to vector<1x16xf32>
    tpu.vector_store %arg5[%swap3A_913, %swap3A_914], %swap3A_917 {strides = array<i32>} : memref<8x128xf32, #tpu.memory_space<vmem>>, vector<1x16xf32>,
    %mul3A_918 = arith.mulf %select_n3A_858, %div3A_868 : vector<16xf32>
    %swap3A_919 = arith.constant 7 : i32
    %swap3A_920 = arith.index_cast %swap3A_919 : i32 to index
    %swap3A_921 = arith.constant 64 : index
    %swap3A_922 = tpu.vector_load %arg5[%swap3A_920, %swap3A_921] {strides = array<i32>} : memref<8x128xf32, #tpu.memory_space<vmem>>, vector<1x16xf32>,
    %swap3A_923 = vector.shape_cast %swap3A_922 : vector<1x16xf32> to vector<16xf32>
    %swap3A_924 = vector.shape_cast %mul3A_918 : vector<16xf32> to vector<1x16xf32>
    tpu.vector_store %arg5[%swap3A_920, %swap3A_921], %swap3A_924 {strides = array<i32>} : memref<8x128xf32, #tpu.memory_space<vmem>>, vector<1x16xf32>,
    %get3A_925 = arith.constant 0 : i32
    %get3A_926 = arith.index_cast %get3A_925 : i32 to index
    %get3A_927 = arith.constant 80 : index
    %get3A_928 = tpu.vector_load %arg4[%get3A_926, %get3A_927] {strides = array<i32>} : memref<8x128xf32, #tpu.memory_space<vmem>>, vector<1x16xf32>,
    %get3A_929 = vector.shape_cast %get3A_928 : vector<1x16xf32> to vector<16xf32>
    %get3A_930 = arith.constant 1 : i32
    %get3A_931 = arith.index_cast %get3A_930 : i32 to index
    %get3A_932 = arith.constant 80 : index
    %get3A_933 = tpu.vector_load %arg4[%get3A_931, %get3A_932] {strides = array<i32>} : memref<8x128xf32, #tpu.memory_space<vmem>>, vector<1x16xf32>,
    %get3A_934 = vector.shape_cast %get3A_933 : vector<1x16xf32> to vector<16xf32>
    %get3A_935 = arith.constant 2 : i32
    %get3A_936 = arith.index_cast %get3A_935 : i32 to index
    %get3A_937 = arith.constant 80 : index
    %get3A_938 = tpu.vector_load %arg4[%get3A_936, %get3A_937] {strides = array<i32>} : memref<8x128xf32, #tpu.memory_space<vmem>>, vector<1x16xf32>,
    %get3A_939 = vector.shape_cast %get3A_938 : vector<1x16xf32> to vector<16xf32>
    %get3A_940 = arith.constant 3 : i32
    %get3A_941 = arith.index_cast %get3A_940 : i32 to index
    %get3A_942 = arith.constant 80 : index
    %get3A_943 = tpu.vector_load %arg4[%get3A_941, %get3A_942] {strides = array<i32>} : memref<8x128xf32, #tpu.memory_space<vmem>>, vector<1x16xf32>,
    %get3A_944 = vector.shape_cast %get3A_943 : vector<1x16xf32> to vector<16xf32>
    %get3A_945 = arith.constant 4 : i32
    %get3A_946 = arith.index_cast %get3A_945 : i32 to index
    %get3A_947 = arith.constant 80 : index
    %get3A_948 = tpu.vector_load %arg4[%get3A_946, %get3A_947] {strides = array<i32>} : memref<8x128xf32, #tpu.memory_space<vmem>>, vector<1x16xf32>,
    %get3A_949 = vector.shape_cast %get3A_948 : vector<1x16xf32> to vector<16xf32>
    %get3A_950 = arith.constant 5 : i32
    %get3A_951 = arith.index_cast %get3A_950 : i32 to index
    %get3A_952 = arith.constant 80 : index
    %get3A_953 = tpu.vector_load %arg4[%get3A_951, %get3A_952] {strides = array<i32>} : memref<8x128xf32, #tpu.memory_space<vmem>>, vector<1x16xf32>,
    %get3A_954 = vector.shape_cast %get3A_953 : vector<1x16xf32> to vector<16xf32>
    %get3A_955 = arith.constant 6 : i32
    %get3A_956 = arith.index_cast %get3A_955 : i32 to index
    %get3A_957 = arith.constant 80 : index
    %get3A_958 = tpu.vector_load %arg4[%get3A_956, %get3A_957] {strides = array<i32>} : memref<8x128xf32, #tpu.memory_space<vmem>>, vector<1x16xf32>,
    %get3A_959 = vector.shape_cast %get3A_958 : vector<1x16xf32> to vector<16xf32>
    %get3A_960 = arith.constant 7 : i32
    %get3A_961 = arith.index_cast %get3A_960 : i32 to index
    %get3A_962 = arith.constant 80 : index
    %get3A_963 = tpu.vector_load %arg4[%get3A_961, %get3A_962] {strides = array<i32>} : memref<8x128xf32, #tpu.memory_space<vmem>>, vector<1x16xf32>,
    %get3A_964 = vector.shape_cast %get3A_963 : vector<1x16xf32> to vector<16xf32>
    %max3A_965 = arith.maximumf %get3A_929, %get3A_934 : vector<16xf32>
    %max3A_966 = arith.maximumf %max3A_965, %get3A_939 : vector<16xf32>
    %max3A_967 = arith.maximumf %max3A_966, %get3A_944 : vector<16xf32>
    %max3A_968 = arith.maximumf %max3A_967, %get3A_949 : vector<16xf32>
    %max3A_969 = arith.maximumf %max3A_968, %get3A_954 : vector<16xf32>
    %max3A_970 = arith.maximumf %max3A_969, %get3A_959 : vector<16xf32>
    %max3A_971 = arith.maximumf %max3A_970, %get3A_964 : vector<16xf32>
    %broadcast_in_dim3A_972 = arith.constant 0xFF800000 : f32
    %broadcast_in_dim3A_973 = vector.broadcast %broadcast_in_dim3A_972 : f32 to vector<16xf32>
    %lt3A_974 = arith.cmpf olt, %get3A_929, %max3A_971 : vector<16xf32>
    %select_n3A_975 = arith.select %lt3A_974, %get3A_929, %broadcast_in_dim3A_973 : vector<16xi1>, vector<16xf32>
    %max3A_976 = arith.maximumf %broadcast_in_dim3A_973, %select_n3A_975 : vector<16xf32>
    %lt3A_977 = arith.cmpf olt, %get3A_934, %max3A_971 : vector<16xf32>
    %select_n3A_978 = arith.select %lt3A_977, %get3A_934, %broadcast_in_dim3A_973 : vector<16xi1>, vector<16xf32>
    %max3A_979 = arith.maximumf %max3A_976, %select_n3A_978 : vector<16xf32>
    %lt3A_980 = arith.cmpf olt, %get3A_939, %max3A_971 : vector<16xf32>
    %select_n3A_981 = arith.select %lt3A_980, %get3A_939, %broadcast_in_dim3A_973 : vector<16xi1>, vector<16xf32>
    %max3A_982 = arith.maximumf %max3A_979, %select_n3A_981 : vector<16xf32>
    %lt3A_983 = arith.cmpf olt, %get3A_944, %max3A_971 : vector<16xf32>
    %select_n3A_984 = arith.select %lt3A_983, %get3A_944, %broadcast_in_dim3A_973 : vector<16xi1>, vector<16xf32>
    %max3A_985 = arith.maximumf %max3A_982, %select_n3A_984 : vector<16xf32>
    %lt3A_986 = arith.cmpf olt, %get3A_949, %max3A_971 : vector<16xf32>
    %select_n3A_987 = arith.select %lt3A_986, %get3A_949, %broadcast_in_dim3A_973 : vector<16xi1>, vector<16xf32>
    %max3A_988 = arith.maximumf %max3A_985, %select_n3A_987 : vector<16xf32>
    %lt3A_989 = arith.cmpf olt, %get3A_954, %max3A_971 : vector<16xf32>
    %select_n3A_990 = arith.select %lt3A_989, %get3A_954, %broadcast_in_dim3A_973 : vector<16xi1>, vector<16xf32>
    %max3A_991 = arith.maximumf %max3A_988, %select_n3A_990 : vector<16xf32>
    %lt3A_992 = arith.cmpf olt, %get3A_959, %max3A_971 : vector<16xf32>
    %select_n3A_993 = arith.select %lt3A_992, %get3A_959, %broadcast_in_dim3A_973 : vector<16xi1>, vector<16xf32>
    %max3A_994 = arith.maximumf %max3A_991, %select_n3A_993 : vector<16xf32>
    %lt3A_995 = arith.cmpf olt, %get3A_964, %max3A_971 : vector<16xf32>
    %select_n3A_996 = arith.select %lt3A_995, %get3A_964, %broadcast_in_dim3A_973 : vector<16xi1>, vector<16xf32>
    %max3A_997 = arith.maximumf %max3A_994, %select_n3A_996 : vector<16xf32>
    %ge3A_998 = arith.cmpf oge, %get3A_929, %max3A_997 : vector<16xf32>
    %sub3A_999 = arith.subf %get3A_929, %max3A_971 : vector<16xf32>
    %exp3A_1000 = math.exp %sub3A_999 : vector<16xf32>
    %jit3A_1001 = arith.constant 0.000000e+00 : f32
    %broadcast_in_dim3A_1002 = vector.broadcast %jit3A_1001 : f32 to vector<16xf32>
    %select_n3A_1003 = arith.select %ge3A_998, %exp3A_1000, %broadcast_in_dim3A_1002 : vector<16xi1>, vector<16xf32>
    %ge3A_1004 = arith.cmpf oge, %get3A_934, %max3A_997 : vector<16xf32>
    %sub3A_1005 = arith.subf %get3A_934, %max3A_971 : vector<16xf32>
    %exp3A_1006 = math.exp %sub3A_1005 : vector<16xf32>
    %jit3A_1007 = arith.constant 0.000000e+00 : f32
    %broadcast_in_dim3A_1008 = vector.broadcast %jit3A_1007 : f32 to vector<16xf32>
    %select_n3A_1009 = arith.select %ge3A_1004, %exp3A_1006, %broadcast_in_dim3A_1008 : vector<16xi1>, vector<16xf32>
    %ge3A_1010 = arith.cmpf oge, %get3A_939, %max3A_997 : vector<16xf32>
    %sub3A_1011 = arith.subf %get3A_939, %max3A_971 : vector<16xf32>
    %exp3A_1012 = math.exp %sub3A_1011 : vector<16xf32>
    %jit3A_1013 = arith.constant 0.000000e+00 : f32
    %broadcast_in_dim3A_1014 = vector.broadcast %jit3A_1013 : f32 to vector<16xf32>
    %select_n3A_1015 = arith.select %ge3A_1010, %exp3A_1012, %broadcast_in_dim3A_1014 : vector<16xi1>, vector<16xf32>
    %ge3A_1016 = arith.cmpf oge, %get3A_944, %max3A_997 : vector<16xf32>
    %sub3A_1017 = arith.subf %get3A_944, %max3A_971 : vector<16xf32>
    %exp3A_1018 = math.exp %sub3A_1017 : vector<16xf32>
    %jit3A_1019 = arith.constant 0.000000e+00 : f32
    %broadcast_in_dim3A_1020 = vector.broadcast %jit3A_1019 : f32 to vector<16xf32>
    %select_n3A_1021 = arith.select %ge3A_1016, %exp3A_1018, %broadcast_in_dim3A_1020 : vector<16xi1>, vector<16xf32>
    %ge3A_1022 = arith.cmpf oge, %get3A_949, %max3A_997 : vector<16xf32>
    %sub3A_1023 = arith.subf %get3A_949, %max3A_971 : vector<16xf32>
    %exp3A_1024 = math.exp %sub3A_1023 : vector<16xf32>
    %jit3A_1025 = arith.constant 0.000000e+00 : f32
    %broadcast_in_dim3A_1026 = vector.broadcast %jit3A_1025 : f32 to vector<16xf32>
    %select_n3A_1027 = arith.select %ge3A_1022, %exp3A_1024, %broadcast_in_dim3A_1026 : vector<16xi1>, vector<16xf32>
    %ge3A_1028 = arith.cmpf oge, %get3A_954, %max3A_997 : vector<16xf32>
    %sub3A_1029 = arith.subf %get3A_954, %max3A_971 : vector<16xf32>
    %exp3A_1030 = math.exp %sub3A_1029 : vector<16xf32>
    %jit3A_1031 = arith.constant 0.000000e+00 : f32
    %broadcast_in_dim3A_1032 = vector.broadcast %jit3A_1031 : f32 to vector<16xf32>
    %select_n3A_1033 = arith.select %ge3A_1028, %exp3A_1030, %broadcast_in_dim3A_1032 : vector<16xi1>, vector<16xf32>
    %ge3A_1034 = arith.cmpf oge, %get3A_959, %max3A_997 : vector<16xf32>
    %sub3A_1035 = arith.subf %get3A_959, %max3A_971 : vector<16xf32>
    %exp3A_1036 = math.exp %sub3A_1035 : vector<16xf32>
    %jit3A_1037 = arith.constant 0.000000e+00 : f32
    %broadcast_in_dim3A_1038 = vector.broadcast %jit3A_1037 : f32 to vector<16xf32>
    %select_n3A_1039 = arith.select %ge3A_1034, %exp3A_1036, %broadcast_in_dim3A_1038 : vector<16xi1>, vector<16xf32>
    %ge3A_1040 = arith.cmpf oge, %get3A_964, %max3A_997 : vector<16xf32>
    %sub3A_1041 = arith.subf %get3A_964, %max3A_971 : vector<16xf32>
    %exp3A_1042 = math.exp %sub3A_1041 : vector<16xf32>
    %jit3A_1043 = arith.constant 0.000000e+00 : f32
    %broadcast_in_dim3A_1044 = vector.broadcast %jit3A_1043 : f32 to vector<16xf32>
    %select_n3A_1045 = arith.select %ge3A_1040, %exp3A_1042, %broadcast_in_dim3A_1044 : vector<16xi1>, vector<16xf32>
    %add3A_1046 = arith.addf %select_n3A_1003, %select_n3A_1009 : vector<16xf32>
    %add3A_1047 = arith.addf %add3A_1046, %select_n3A_1015 : vector<16xf32>
    %add3A_1048 = arith.addf %add3A_1047, %select_n3A_1021 : vector<16xf32>
    %add3A_1049 = arith.addf %add3A_1048, %select_n3A_1027 : vector<16xf32>
    %add3A_1050 = arith.addf %add3A_1049, %select_n3A_1033 : vector<16xf32>
    %add3A_1051 = arith.addf %add3A_1050, %select_n3A_1039 : vector<16xf32>
    %add3A_1052 = arith.addf %add3A_1051, %select_n3A_1045 : vector<16xf32>
    %div3A_1053 = arith.constant 1.000000e+00 : f32
    %div3A_1054 = vector.broadcast %div3A_1053 : f32 to vector<16xf32>
    %div3A_1055 = arith.divf %div3A_1054, %add3A_1052 : vector<16xf32>
    %mul3A_1056 = arith.mulf %select_n3A_1003, %div3A_1055 : vector<16xf32>
    %swap3A_1057 = arith.constant 0 : i32
    %swap3A_1058 = arith.index_cast %swap3A_1057 : i32 to index
    %swap3A_1059 = arith.constant 80 : index
    %swap3A_1060 = tpu.vector_load %arg5[%swap3A_1058, %swap3A_1059] {strides = array<i32>} : memref<8x128xf32, #tpu.memory_space<vmem>>, vector<1x16xf32>,
    %swap3A_1061 = vector.shape_cast %swap3A_1060 : vector<1x16xf32> to vector<16xf32>
    %swap3A_1062 = vector.shape_cast %mul3A_1056 : vector<16xf32> to vector<1x16xf32>
    tpu.vector_store %arg5[%swap3A_1058, %swap3A_1059], %swap3A_1062 {strides = array<i32>} : memref<8x128xf32, #tpu.memory_space<vmem>>, vector<1x16xf32>,
    %mul3A_1063 = arith.mulf %select_n3A_1009, %div3A_1055 : vector<16xf32>
    %swap3A_1064 = arith.constant 1 : i32
    %swap3A_1065 = arith.index_cast %swap3A_1064 : i32 to index
    %swap3A_1066 = arith.constant 80 : index
    %swap3A_1067 = tpu.vector_load %arg5[%swap3A_1065, %swap3A_1066] {strides = array<i32>} : memref<8x128xf32, #tpu.memory_space<vmem>>, vector<1x16xf32>,
    %swap3A_1068 = vector.shape_cast %swap3A_1067 : vector<1x16xf32> to vector<16xf32>
    %swap3A_1069 = vector.shape_cast %mul3A_1063 : vector<16xf32> to vector<1x16xf32>
    tpu.vector_store %arg5[%swap3A_1065, %swap3A_1066], %swap3A_1069 {strides = array<i32>} : memref<8x128xf32, #tpu.memory_space<vmem>>, vector<1x16xf32>,
    %mul3A_1070 = arith.mulf %select_n3A_1015, %div3A_1055 : vector<16xf32>
    %swap3A_1071 = arith.constant 2 : i32
    %swap3A_1072 = arith.index_cast %swap3A_1071 : i32 to index
    %swap3A_1073 = arith.constant 80 : index
    %swap3A_1074 = tpu.vector_load %arg5[%swap3A_1072, %swap3A_1073] {strides = array<i32>} : memref<8x128xf32, #tpu.memory_space<vmem>>, vector<1x16xf32>,
    %swap3A_1075 = vector.shape_cast %swap3A_1074 : vector<1x16xf32> to vector<16xf32>
    %swap3A_1076 = vector.shape_cast %mul3A_1070 : vector<16xf32> to vector<1x16xf32>
    tpu.vector_store %arg5[%swap3A_1072, %swap3A_1073], %swap3A_1076 {strides = array<i32>} : memref<8x128xf32, #tpu.memory_space<vmem>>, vector<1x16xf32>,
    %mul3A_1077 = arith.mulf %select_n3A_1021, %div3A_1055 : vector<16xf32>
    %swap3A_1078 = arith.constant 3 : i32
    %swap3A_1079 = arith.index_cast %swap3A_1078 : i32 to index
    %swap3A_1080 = arith.constant 80 : index
    %swap3A_1081 = tpu.vector_load %arg5[%swap3A_1079, %swap3A_1080] {strides = array<i32>} : memref<8x128xf32, #tpu.memory_space<vmem>>, vector<1x16xf32>,
    %swap3A_1082 = vector.shape_cast %swap3A_1081 : vector<1x16xf32> to vector<16xf32>
    %swap3A_1083 = vector.shape_cast %mul3A_1077 : vector<16xf32> to vector<1x16xf32>
    tpu.vector_store %arg5[%swap3A_1079, %swap3A_1080], %swap3A_1083 {strides = array<i32>} : memref<8x128xf32, #tpu.memory_space<vmem>>, vector<1x16xf32>,
    %mul3A_1084 = arith.mulf %select_n3A_1027, %div3A_1055 : vector<16xf32>
    %swap3A_1085 = arith.constant 4 : i32
    %swap3A_1086 = arith.index_cast %swap3A_1085 : i32 to index
    %swap3A_1087 = arith.constant 80 : index
    %swap3A_1088 = tpu.vector_load %arg5[%swap3A_1086, %swap3A_1087] {strides = array<i32>} : memref<8x128xf32, #tpu.memory_space<vmem>>, vector<1x16xf32>,
    %swap3A_1089 = vector.shape_cast %swap3A_1088 : vector<1x16xf32> to vector<16xf32>
    %swap3A_1090 = vector.shape_cast %mul3A_1084 : vector<16xf32> to vector<1x16xf32>
    tpu.vector_store %arg5[%swap3A_1086, %swap3A_1087], %swap3A_1090 {strides = array<i32>} : memref<8x128xf32, #tpu.memory_space<vmem>>, vector<1x16xf32>,
    %mul3A_1091 = arith.mulf %select_n3A_1033, %div3A_1055 : vector<16xf32>
    %swap3A_1092 = arith.constant 5 : i32
    %swap3A_1093 = arith.index_cast %swap3A_1092 : i32 to index
    %swap3A_1094 = arith.constant 80 : index
    %swap3A_1095 = tpu.vector_load %arg5[%swap3A_1093, %swap3A_1094] {strides = array<i32>} : memref<8x128xf32, #tpu.memory_space<vmem>>, vector<1x16xf32>,
    %swap3A_1096 = vector.shape_cast %swap3A_1095 : vector<1x16xf32> to vector<16xf32>
    %swap3A_1097 = vector.shape_cast %mul3A_1091 : vector<16xf32> to vector<1x16xf32>
    tpu.vector_store %arg5[%swap3A_1093, %swap3A_1094], %swap3A_1097 {strides = array<i32>} : memref<8x128xf32, #tpu.memory_space<vmem>>, vector<1x16xf32>,
    %mul3A_1098 = arith.mulf %select_n3A_1039, %div3A_1055 : vector<16xf32>
    %swap3A_1099 = arith.constant 6 : i32
    %swap3A_1100 = arith.index_cast %swap3A_1099 : i32 to index
    %swap3A_1101 = arith.constant 80 : index
    %swap3A_1102 = tpu.vector_load %arg5[%swap3A_1100, %swap3A_1101] {strides = array<i32>} : memref<8x128xf32, #tpu.memory_space<vmem>>, vector<1x16xf32>,
    %swap3A_1103 = vector.shape_cast %swap3A_1102 : vector<1x16xf32> to vector<16xf32>
    %swap3A_1104 = vector.shape_cast %mul3A_1098 : vector<16xf32> to vector<1x16xf32>
    tpu.vector_store %arg5[%swap3A_1100, %swap3A_1101], %swap3A_1104 {strides = array<i32>} : memref<8x128xf32, #tpu.memory_space<vmem>>, vector<1x16xf32>,
    %mul3A_1105 = arith.mulf %select_n3A_1045, %div3A_1055 : vector<16xf32>
    %swap3A_1106 = arith.constant 7 : i32
    %swap3A_1107 = arith.index_cast %swap3A_1106 : i32 to index
    %swap3A_1108 = arith.constant 80 : index
    %swap3A_1109 = tpu.vector_load %arg5[%swap3A_1107, %swap3A_1108] {strides = array<i32>} : memref<8x128xf32, #tpu.memory_space<vmem>>, vector<1x16xf32>,
    %swap3A_1110 = vector.shape_cast %swap3A_1109 : vector<1x16xf32> to vector<16xf32>
    %swap3A_1111 = vector.shape_cast %mul3A_1105 : vector<16xf32> to vector<1x16xf32>
    tpu.vector_store %arg5[%swap3A_1107, %swap3A_1108], %swap3A_1111 {strides = array<i32>} : memref<8x128xf32, #tpu.memory_space<vmem>>, vector<1x16xf32>,
    %get3A_1112 = arith.constant 0 : i32
    %get3A_1113 = arith.index_cast %get3A_1112 : i32 to index
    %get3A_1114 = arith.constant 96 : index
    %get3A_1115 = tpu.vector_load %arg4[%get3A_1113, %get3A_1114] {strides = array<i32>} : memref<8x128xf32, #tpu.memory_space<vmem>>, vector<1x16xf32>,
    %get3A_1116 = vector.shape_cast %get3A_1115 : vector<1x16xf32> to vector<16xf32>
    %get3A_1117 = arith.constant 1 : i32
    %get3A_1118 = arith.index_cast %get3A_1117 : i32 to index
    %get3A_1119 = arith.constant 96 : index
    %get3A_1120 = tpu.vector_load %arg4[%get3A_1118, %get3A_1119] {strides = array<i32>} : memref<8x128xf32, #tpu.memory_space<vmem>>, vector<1x16xf32>,
    %get3A_1121 = vector.shape_cast %get3A_1120 : vector<1x16xf32> to vector<16xf32>
    %get3A_1122 = arith.constant 2 : i32
    %get3A_1123 = arith.index_cast %get3A_1122 : i32 to index
    %get3A_1124 = arith.constant 96 : index
    %get3A_1125 = tpu.vector_load %arg4[%get3A_1123, %get3A_1124] {strides = array<i32>} : memref<8x128xf32, #tpu.memory_space<vmem>>, vector<1x16xf32>,
    %get3A_1126 = vector.shape_cast %get3A_1125 : vector<1x16xf32> to vector<16xf32>
    %get3A_1127 = arith.constant 3 : i32
    %get3A_1128 = arith.index_cast %get3A_1127 : i32 to index
    %get3A_1129 = arith.constant 96 : index
    %get3A_1130 = tpu.vector_load %arg4[%get3A_1128, %get3A_1129] {strides = array<i32>} : memref<8x128xf32, #tpu.memory_space<vmem>>, vector<1x16xf32>,
    %get3A_1131 = vector.shape_cast %get3A_1130 : vector<1x16xf32> to vector<16xf32>
    %get3A_1132 = arith.constant 4 : i32
    %get3A_1133 = arith.index_cast %get3A_1132 : i32 to index
    %get3A_1134 = arith.constant 96 : index
    %get3A_1135 = tpu.vector_load %arg4[%get3A_1133, %get3A_1134] {strides = array<i32>} : memref<8x128xf32, #tpu.memory_space<vmem>>, vector<1x16xf32>,
    %get3A_1136 = vector.shape_cast %get3A_1135 : vector<1x16xf32> to vector<16xf32>
    %get3A_1137 = arith.constant 5 : i32
    %get3A_1138 = arith.index_cast %get3A_1137 : i32 to index
    %get3A_1139 = arith.constant 96 : index
    %get3A_1140 = tpu.vector_load %arg4[%get3A_1138, %get3A_1139] {strides = array<i32>} : memref<8x128xf32, #tpu.memory_space<vmem>>, vector<1x16xf32>,
    %get3A_1141 = vector.shape_cast %get3A_1140 : vector<1x16xf32> to vector<16xf32>
    %get3A_1142 = arith.constant 6 : i32
    %get3A_1143 = arith.index_cast %get3A_1142 : i32 to index
    %get3A_1144 = arith.constant 96 : index
    %get3A_1145 = tpu.vector_load %arg4[%get3A_1143, %get3A_1144] {strides = array<i32>} : memref<8x128xf32, #tpu.memory_space<vmem>>, vector<1x16xf32>,
    %get3A_1146 = vector.shape_cast %get3A_1145 : vector<1x16xf32> to vector<16xf32>
    %get3A_1147 = arith.constant 7 : i32
    %get3A_1148 = arith.index_cast %get3A_1147 : i32 to index
    %get3A_1149 = arith.constant 96 : index
    %get3A_1150 = tpu.vector_load %arg4[%get3A_1148, %get3A_1149] {strides = array<i32>} : memref<8x128xf32, #tpu.memory_space<vmem>>, vector<1x16xf32>,
    %get3A_1151 = vector.shape_cast %get3A_1150 : vector<1x16xf32> to vector<16xf32>
    %max3A_1152 = arith.maximumf %get3A_1116, %get3A_1121 : vector<16xf32>
    %max3A_1153 = arith.maximumf %max3A_1152, %get3A_1126 : vector<16xf32>
    %max3A_1154 = arith.maximumf %max3A_1153, %get3A_1131 : vector<16xf32>
    %max3A_1155 = arith.maximumf %max3A_1154, %get3A_1136 : vector<16xf32>
    %max3A_1156 = arith.maximumf %max3A_1155, %get3A_1141 : vector<16xf32>
    %max3A_1157 = arith.maximumf %max3A_1156, %get3A_1146 : vector<16xf32>
    %max3A_1158 = arith.maximumf %max3A_1157, %get3A_1151 : vector<16xf32>
    %broadcast_in_dim3A_1159 = arith.constant 0xFF800000 : f32
    %broadcast_in_dim3A_1160 = vector.broadcast %broadcast_in_dim3A_1159 : f32 to vector<16xf32>
    %lt3A_1161 = arith.cmpf olt, %get3A_1116, %max3A_1158 : vector<16xf32>
    %select_n3A_1162 = arith.select %lt3A_1161, %get3A_1116, %broadcast_in_dim3A_1160 : vector<16xi1>, vector<16xf32>
    %max3A_1163 = arith.maximumf %broadcast_in_dim3A_1160, %select_n3A_1162 : vector<16xf32>
    %lt3A_1164 = arith.cmpf olt, %get3A_1121, %max3A_1158 : vector<16xf32>
    %select_n3A_1165 = arith.select %lt3A_1164, %get3A_1121, %broadcast_in_dim3A_1160 : vector<16xi1>, vector<16xf32>
    %max3A_1166 = arith.maximumf %max3A_1163, %select_n3A_1165 : vector<16xf32>
    %lt3A_1167 = arith.cmpf olt, %get3A_1126, %max3A_1158 : vector<16xf32>
    %select_n3A_1168 = arith.select %lt3A_1167, %get3A_1126, %broadcast_in_dim3A_1160 : vector<16xi1>, vector<16xf32>
    %max3A_1169 = arith.maximumf %max3A_1166, %select_n3A_1168 : vector<16xf32>
    %lt3A_1170 = arith.cmpf olt, %get3A_1131, %max3A_1158 : vector<16xf32>
    %select_n3A_1171 = arith.select %lt3A_1170, %get3A_1131, %broadcast_in_dim3A_1160 : vector<16xi1>, vector<16xf32>
    %max3A_1172 = arith.maximumf %max3A_1169, %select_n3A_1171 : vector<16xf32>
    %lt3A_1173 = arith.cmpf olt, %get3A_1136, %max3A_1158 : vector<16xf32>
    %select_n3A_1174 = arith.select %lt3A_1173, %get3A_1136, %broadcast_in_dim3A_1160 : vector<16xi1>, vector<16xf32>
    %max3A_1175 = arith.maximumf %max3A_1172, %select_n3A_1174 : vector<16xf32>
    %lt3A_1176 = arith.cmpf olt, %get3A_1141, %max3A_1158 : vector<16xf32>
    %select_n3A_1177 = arith.select %lt3A_1176, %get3A_1141, %broadcast_in_dim3A_1160 : vector<16xi1>, vector<16xf32>
    %max3A_1178 = arith.maximumf %max3A_1175, %select_n3A_1177 : vector<16xf32>
    %lt3A_1179 = arith.cmpf olt, %get3A_1146, %max3A_1158 : vector<16xf32>
    %select_n3A_1180 = arith.select %lt3A_1179, %get3A_1146, %broadcast_in_dim3A_1160 : vector<16xi1>, vector<16xf32>
    %max3A_1181 = arith.maximumf %max3A_1178, %select_n3A_1180 : vector<16xf32>
    %lt3A_1182 = arith.cmpf olt, %get3A_1151, %max3A_1158 : vector<16xf32>
    %select_n3A_1183 = arith.select %lt3A_1182, %get3A_1151, %broadcast_in_dim3A_1160 : vector<16xi1>, vector<16xf32>
    %max3A_1184 = arith.maximumf %max3A_1181, %select_n3A_1183 : vector<16xf32>
    %ge3A_1185 = arith.cmpf oge, %get3A_1116, %max3A_1184 : vector<16xf32>
    %sub3A_1186 = arith.subf %get3A_1116, %max3A_1158 : vector<16xf32>
    %exp3A_1187 = math.exp %sub3A_1186 : vector<16xf32>
    %jit3A_1188 = arith.constant 0.000000e+00 : f32
    %broadcast_in_dim3A_1189 = vector.broadcast %jit3A_1188 : f32 to vector<16xf32>
    %select_n3A_1190 = arith.select %ge3A_1185, %exp3A_1187, %broadcast_in_dim3A_1189 : vector<16xi1>, vector<16xf32>
    %ge3A_1191 = arith.cmpf oge, %get3A_1121, %max3A_1184 : vector<16xf32>
    %sub3A_1192 = arith.subf %get3A_1121, %max3A_1158 : vector<16xf32>
    %exp3A_1193 = math.exp %sub3A_1192 : vector<16xf32>
    %jit3A_1194 = arith.constant 0.000000e+00 : f32
    %broadcast_in_dim3A_1195 = vector.broadcast %jit3A_1194 : f32 to vector<16xf32>
    %select_n3A_1196 = arith.select %ge3A_1191, %exp3A_1193, %broadcast_in_dim3A_1195 : vector<16xi1>, vector<16xf32>
    %ge3A_1197 = arith.cmpf oge, %get3A_1126, %max3A_1184 : vector<16xf32>
    %sub3A_1198 = arith.subf %get3A_1126, %max3A_1158 : vector<16xf32>
    %exp3A_1199 = math.exp %sub3A_1198 : vector<16xf32>
    %jit3A_1200 = arith.constant 0.000000e+00 : f32
    %broadcast_in_dim3A_1201 = vector.broadcast %jit3A_1200 : f32 to vector<16xf32>
    %select_n3A_1202 = arith.select %ge3A_1197, %exp3A_1199, %broadcast_in_dim3A_1201 : vector<16xi1>, vector<16xf32>
    %ge3A_1203 = arith.cmpf oge, %get3A_1131, %max3A_1184 : vector<16xf32>
    %sub3A_1204 = arith.subf %get3A_1131, %max3A_1158 : vector<16xf32>
    %exp3A_1205 = math.exp %sub3A_1204 : vector<16xf32>
    %jit3A_1206 = arith.constant 0.000000e+00 : f32
    %broadcast_in_dim3A_1207 = vector.broadcast %jit3A_1206 : f32 to vector<16xf32>
    %select_n3A_1208 = arith.select %ge3A_1203, %exp3A_1205, %broadcast_in_dim3A_1207 : vector<16xi1>, vector<16xf32>
    %ge3A_1209 = arith.cmpf oge, %get3A_1136, %max3A_1184 : vector<16xf32>
    %sub3A_1210 = arith.subf %get3A_1136, %max3A_1158 : vector<16xf32>
    %exp3A_1211 = math.exp %sub3A_1210 : vector<16xf32>
    %jit3A_1212 = arith.constant 0.000000e+00 : f32
    %broadcast_in_dim3A_1213 = vector.broadcast %jit3A_1212 : f32 to vector<16xf32>
    %select_n3A_1214 = arith.select %ge3A_1209, %exp3A_1211, %broadcast_in_dim3A_1213 : vector<16xi1>, vector<16xf32>
    %ge3A_1215 = arith.cmpf oge, %get3A_1141, %max3A_1184 : vector<16xf32>
    %sub3A_1216 = arith.subf %get3A_1141, %max3A_1158 : vector<16xf32>
    %exp3A_1217 = math.exp %sub3A_1216 : vector<16xf32>
    %jit3A_1218 = arith.constant 0.000000e+00 : f32
    %broadcast_in_dim3A_1219 = vector.broadcast %jit3A_1218 : f32 to vector<16xf32>
    %select_n3A_1220 = arith.select %ge3A_1215, %exp3A_1217, %broadcast_in_dim3A_1219 : vector<16xi1>, vector<16xf32>
    %ge3A_1221 = arith.cmpf oge, %get3A_1146, %max3A_1184 : vector<16xf32>
    %sub3A_1222 = arith.subf %get3A_1146, %max3A_1158 : vector<16xf32>
    %exp3A_1223 = math.exp %sub3A_1222 : vector<16xf32>
    %jit3A_1224 = arith.constant 0.000000e+00 : f32
    %broadcast_in_dim3A_1225 = vector.broadcast %jit3A_1224 : f32 to vector<16xf32>
    %select_n3A_1226 = arith.select %ge3A_1221, %exp3A_1223, %broadcast_in_dim3A_1225 : vector<16xi1>, vector<16xf32>
    %ge3A_1227 = arith.cmpf oge, %get3A_1151, %max3A_1184 : vector<16xf32>
    %sub3A_1228 = arith.subf %get3A_1151, %max3A_1158 : vector<16xf32>
    %exp3A_1229 = math.exp %sub3A_1228 : vector<16xf32>
    %jit3A_1230 = arith.constant 0.000000e+00 : f32
    %broadcast_in_dim3A_1231 = vector.broadcast %jit3A_1230 : f32 to vector<16xf32>
    %select_n3A_1232 = arith.select %ge3A_1227, %exp3A_1229, %broadcast_in_dim3A_1231 : vector<16xi1>, vector<16xf32>
    %add3A_1233 = arith.addf %select_n3A_1190, %select_n3A_1196 : vector<16xf32>
    %add3A_1234 = arith.addf %add3A_1233, %select_n3A_1202 : vector<16xf32>
    %add3A_1235 = arith.addf %add3A_1234, %select_n3A_1208 : vector<16xf32>
    %add3A_1236 = arith.addf %add3A_1235, %select_n3A_1214 : vector<16xf32>
    %add3A_1237 = arith.addf %add3A_1236, %select_n3A_1220 : vector<16xf32>
    %add3A_1238 = arith.addf %add3A_1237, %select_n3A_1226 : vector<16xf32>
    %add3A_1239 = arith.addf %add3A_1238, %select_n3A_1232 : vector<16xf32>
    %div3A_1240 = arith.constant 1.000000e+00 : f32
    %div3A_1241 = vector.broadcast %div3A_1240 : f32 to vector<16xf32>
    %div3A_1242 = arith.divf %div3A_1241, %add3A_1239 : vector<16xf32>
    %mul3A_1243 = arith.mulf %select_n3A_1190, %div3A_1242 : vector<16xf32>
    %swap3A_1244 = arith.constant 0 : i32
    %swap3A_1245 = arith.index_cast %swap3A_1244 : i32 to index
    %swap3A_1246 = arith.constant 96 : index
    %swap3A_1247 = tpu.vector_load %arg5[%swap3A_1245, %swap3A_1246] {strides = array<i32>} : memref<8x128xf32, #tpu.memory_space<vmem>>, vector<1x16xf32>,
    %swap3A_1248 = vector.shape_cast %swap3A_1247 : vector<1x16xf32> to vector<16xf32>
    %swap3A_1249 = vector.shape_cast %mul3A_1243 : vector<16xf32> to vector<1x16xf32>
    tpu.vector_store %arg5[%swap3A_1245, %swap3A_1246], %swap3A_1249 {strides = array<i32>} : memref<8x128xf32, #tpu.memory_space<vmem>>, vector<1x16xf32>,
    %mul3A_1250 = arith.mulf %select_n3A_1196, %div3A_1242 : vector<16xf32>
    %swap3A_1251 = arith.constant 1 : i32
    %swap3A_1252 = arith.index_cast %swap3A_1251 : i32 to index
    %swap3A_1253 = arith.constant 96 : index
    %swap3A_1254 = tpu.vector_load %arg5[%swap3A_1252, %swap3A_1253] {strides = array<i32>} : memref<8x128xf32, #tpu.memory_space<vmem>>, vector<1x16xf32>,
    %swap3A_1255 = vector.shape_cast %swap3A_1254 : vector<1x16xf32> to vector<16xf32>
    %swap3A_1256 = vector.shape_cast %mul3A_1250 : vector<16xf32> to vector<1x16xf32>
    tpu.vector_store %arg5[%swap3A_1252, %swap3A_1253], %swap3A_1256 {strides = array<i32>} : memref<8x128xf32, #tpu.memory_space<vmem>>, vector<1x16xf32>,
    %mul3A_1257 = arith.mulf %select_n3A_1202, %div3A_1242 : vector<16xf32>
    %swap3A_1258 = arith.constant 2 : i32
    %swap3A_1259 = arith.index_cast %swap3A_1258 : i32 to index
    %swap3A_1260 = arith.constant 96 : index
    %swap3A_1261 = tpu.vector_load %arg5[%swap3A_1259, %swap3A_1260] {strides = array<i32>} : memref<8x128xf32, #tpu.memory_space<vmem>>, vector<1x16xf32>,
    %swap3A_1262 = vector.shape_cast %swap3A_1261 : vector<1x16xf32> to vector<16xf32>
    %swap3A_1263 = vector.shape_cast %mul3A_1257 : vector<16xf32> to vector<1x16xf32>
    tpu.vector_store %arg5[%swap3A_1259, %swap3A_1260], %swap3A_1263 {strides = array<i32>} : memref<8x128xf32, #tpu.memory_space<vmem>>, vector<1x16xf32>,
    %mul3A_1264 = arith.mulf %select_n3A_1208, %div3A_1242 : vector<16xf32>
    %swap3A_1265 = arith.constant 3 : i32
    %swap3A_1266 = arith.index_cast %swap3A_1265 : i32 to index
    %swap3A_1267 = arith.constant 96 : index
    %swap3A_1268 = tpu.vector_load %arg5[%swap3A_1266, %swap3A_1267] {strides = array<i32>} : memref<8x128xf32, #tpu.memory_space<vmem>>, vector<1x16xf32>,
    %swap3A_1269 = vector.shape_cast %swap3A_1268 : vector<1x16xf32> to vector<16xf32>
    %swap3A_1270 = vector.shape_cast %mul3A_1264 : vector<16xf32> to vector<1x16xf32>
    tpu.vector_store %arg5[%swap3A_1266, %swap3A_1267], %swap3A_1270 {strides = array<i32>} : memref<8x128xf32, #tpu.memory_space<vmem>>, vector<1x16xf32>,
    %mul3A_1271 = arith.mulf %select_n3A_1214, %div3A_1242 : vector<16xf32>
    %swap3A_1272 = arith.constant 4 : i32
    %swap3A_1273 = arith.index_cast %swap3A_1272 : i32 to index
    %swap3A_1274 = arith.constant 96 : index
    %swap3A_1275 = tpu.vector_load %arg5[%swap3A_1273, %swap3A_1274] {strides = array<i32>} : memref<8x128xf32, #tpu.memory_space<vmem>>, vector<1x16xf32>,
    %swap3A_1276 = vector.shape_cast %swap3A_1275 : vector<1x16xf32> to vector<16xf32>
    %swap3A_1277 = vector.shape_cast %mul3A_1271 : vector<16xf32> to vector<1x16xf32>
    tpu.vector_store %arg5[%swap3A_1273, %swap3A_1274], %swap3A_1277 {strides = array<i32>} : memref<8x128xf32, #tpu.memory_space<vmem>>, vector<1x16xf32>,
    %mul3A_1278 = arith.mulf %select_n3A_1220, %div3A_1242 : vector<16xf32>
    %swap3A_1279 = arith.constant 5 : i32
    %swap3A_1280 = arith.index_cast %swap3A_1279 : i32 to index
    %swap3A_1281 = arith.constant 96 : index
    %swap3A_1282 = tpu.vector_load %arg5[%swap3A_1280, %swap3A_1281] {strides = array<i32>} : memref<8x128xf32, #tpu.memory_space<vmem>>, vector<1x16xf32>,
    %swap3A_1283 = vector.shape_cast %swap3A_1282 : vector<1x16xf32> to vector<16xf32>
    %swap3A_1284 = vector.shape_cast %mul3A_1278 : vector<16xf32> to vector<1x16xf32>
    tpu.vector_store %arg5[%swap3A_1280, %swap3A_1281], %swap3A_1284 {strides = array<i32>} : memref<8x128xf32, #tpu.memory_space<vmem>>, vector<1x16xf32>,
    %mul3A_1285 = arith.mulf %select_n3A_1226, %div3A_1242 : vector<16xf32>
    %swap3A_1286 = arith.constant 6 : i32
    %swap3A_1287 = arith.index_cast %swap3A_1286 : i32 to index
    %swap3A_1288 = arith.constant 96 : index
    %swap3A_1289 = tpu.vector_load %arg5[%swap3A_1287, %swap3A_1288] {strides = array<i32>} : memref<8x128xf32, #tpu.memory_space<vmem>>, vector<1x16xf32>,
    %swap3A_1290 = vector.shape_cast %swap3A_1289 : vector<1x16xf32> to vector<16xf32>
    %swap3A_1291 = vector.shape_cast %mul3A_1285 : vector<16xf32> to vector<1x16xf32>
    tpu.vector_store %arg5[%swap3A_1287, %swap3A_1288], %swap3A_1291 {strides = array<i32>} : memref<8x128xf32, #tpu.memory_space<vmem>>, vector<1x16xf32>,
    %mul3A_1292 = arith.mulf %select_n3A_1232, %div3A_1242 : vector<16xf32>
    %swap3A_1293 = arith.constant 7 : i32
    %swap3A_1294 = arith.index_cast %swap3A_1293 : i32 to index
    %swap3A_1295 = arith.constant 96 : index
    %swap3A_1296 = tpu.vector_load %arg5[%swap3A_1294, %swap3A_1295] {strides = array<i32>} : memref<8x128xf32, #tpu.memory_space<vmem>>, vector<1x16xf32>,
    %swap3A_1297 = vector.shape_cast %swap3A_1296 : vector<1x16xf32> to vector<16xf32>
    %swap3A_1298 = vector.shape_cast %mul3A_1292 : vector<16xf32> to vector<1x16xf32>
    tpu.vector_store %arg5[%swap3A_1294, %swap3A_1295], %swap3A_1298 {strides = array<i32>} : memref<8x128xf32, #tpu.memory_space<vmem>>, vector<1x16xf32>,
    %get3A_1299 = arith.constant 0 : i32
    %get3A_1300 = arith.index_cast %get3A_1299 : i32 to index
    %get3A_1301 = arith.constant 112 : index
    %get3A_1302 = tpu.vector_load %arg4[%get3A_1300, %get3A_1301] {strides = array<i32>} : memref<8x128xf32, #tpu.memory_space<vmem>>, vector<1x16xf32>,
    %get3A_1303 = vector.shape_cast %get3A_1302 : vector<1x16xf32> to vector<16xf32>
    %get3A_1304 = arith.constant 1 : i32
    %get3A_1305 = arith.index_cast %get3A_1304 : i32 to index
    %get3A_1306 = arith.constant 112 : index
    %get3A_1307 = tpu.vector_load %arg4[%get3A_1305, %get3A_1306] {strides = array<i32>} : memref<8x128xf32, #tpu.memory_space<vmem>>, vector<1x16xf32>,
    %get3A_1308 = vector.shape_cast %get3A_1307 : vector<1x16xf32> to vector<16xf32>
    %get3A_1309 = arith.constant 2 : i32
    %get3A_1310 = arith.index_cast %get3A_1309 : i32 to index
    %get3A_1311 = arith.constant 112 : index
    %get3A_1312 = tpu.vector_load %arg4[%get3A_1310, %get3A_1311] {strides = array<i32>} : memref<8x128xf32, #tpu.memory_space<vmem>>, vector<1x16xf32>,
    %get3A_1313 = vector.shape_cast %get3A_1312 : vector<1x16xf32> to vector<16xf32>
    %get3A_1314 = arith.constant 3 : i32
    %get3A_1315 = arith.index_cast %get3A_1314 : i32 to index
    %get3A_1316 = arith.constant 112 : index
    %get3A_1317 = tpu.vector_load %arg4[%get3A_1315, %get3A_1316] {strides = array<i32>} : memref<8x128xf32, #tpu.memory_space<vmem>>, vector<1x16xf32>,
    %get3A_1318 = vector.shape_cast %get3A_1317 : vector<1x16xf32> to vector<16xf32>
    %get3A_1319 = arith.constant 4 : i32
    %get3A_1320 = arith.index_cast %get3A_1319 : i32 to index
    %get3A_1321 = arith.constant 112 : index
    %get3A_1322 = tpu.vector_load %arg4[%get3A_1320, %get3A_1321] {strides = array<i32>} : memref<8x128xf32, #tpu.memory_space<vmem>>, vector<1x16xf32>,
    %get3A_1323 = vector.shape_cast %get3A_1322 : vector<1x16xf32> to vector<16xf32>
    %get3A_1324 = arith.constant 5 : i32
    %get3A_1325 = arith.index_cast %get3A_1324 : i32 to index
    %get3A_1326 = arith.constant 112 : index
    %get3A_1327 = tpu.vector_load %arg4[%get3A_1325, %get3A_1326] {strides = array<i32>} : memref<8x128xf32, #tpu.memory_space<vmem>>, vector<1x16xf32>,
    %get3A_1328 = vector.shape_cast %get3A_1327 : vector<1x16xf32> to vector<16xf32>
    %get3A_1329 = arith.constant 6 : i32
    %get3A_1330 = arith.index_cast %get3A_1329 : i32 to index
    %get3A_1331 = arith.constant 112 : index
    %get3A_1332 = tpu.vector_load %arg4[%get3A_1330, %get3A_1331] {strides = array<i32>} : memref<8x128xf32, #tpu.memory_space<vmem>>, vector<1x16xf32>,
    %get3A_1333 = vector.shape_cast %get3A_1332 : vector<1x16xf32> to vector<16xf32>
    %get3A_1334 = arith.constant 7 : i32
    %get3A_1335 = arith.index_cast %get3A_1334 : i32 to index
    %get3A_1336 = arith.constant 112 : index
    %get3A_1337 = tpu.vector_load %arg4[%get3A_1335, %get3A_1336] {strides = array<i32>} : memref<8x128xf32, #tpu.memory_space<vmem>>, vector<1x16xf32>,
    %get3A_1338 = vector.shape_cast %get3A_1337 : vector<1x16xf32> to vector<16xf32>
    %max3A_1339 = arith.maximumf %get3A_1303, %get3A_1308 : vector<16xf32>
    %max3A_1340 = arith.maximumf %max3A_1339, %get3A_1313 : vector<16xf32>
    %max3A_1341 = arith.maximumf %max3A_1340, %get3A_1318 : vector<16xf32>
    %max3A_1342 = arith.maximumf %max3A_1341, %get3A_1323 : vector<16xf32>
    %max3A_1343 = arith.maximumf %max3A_1342, %get3A_1328 : vector<16xf32>
    %max3A_1344 = arith.maximumf %max3A_1343, %get3A_1333 : vector<16xf32>
    %max3A_1345 = arith.maximumf %max3A_1344, %get3A_1338 : vector<16xf32>
    %broadcast_in_dim3A_1346 = arith.constant 0xFF800000 : f32
    %broadcast_in_dim3A_1347 = vector.broadcast %broadcast_in_dim3A_1346 : f32 to vector<16xf32>
    %lt3A_1348 = arith.cmpf olt, %get3A_1303, %max3A_1345 : vector<16xf32>
    %select_n3A_1349 = arith.select %lt3A_1348, %get3A_1303, %broadcast_in_dim3A_1347 : vector<16xi1>, vector<16xf32>
    %max3A_1350 = arith.maximumf %broadcast_in_dim3A_1347, %select_n3A_1349 : vector<16xf32>
    %lt3A_1351 = arith.cmpf olt, %get3A_1308, %max3A_1345 : vector<16xf32>
    %select_n3A_1352 = arith.select %lt3A_1351, %get3A_1308, %broadcast_in_dim3A_1347 : vector<16xi1>, vector<16xf32>
    %max3A_1353 = arith.maximumf %max3A_1350, %select_n3A_1352 : vector<16xf32>
    %lt3A_1354 = arith.cmpf olt, %get3A_1313, %max3A_1345 : vector<16xf32>
    %select_n3A_1355 = arith.select %lt3A_1354, %get3A_1313, %broadcast_in_dim3A_1347 : vector<16xi1>, vector<16xf32>
    %max3A_1356 = arith.maximumf %max3A_1353, %select_n3A_1355 : vector<16xf32>
    %lt3A_1357 = arith.cmpf olt, %get3A_1318, %max3A_1345 : vector<16xf32>
    %select_n3A_1358 = arith.select %lt3A_1357, %get3A_1318, %broadcast_in_dim3A_1347 : vector<16xi1>, vector<16xf32>
    %max3A_1359 = arith.maximumf %max3A_1356, %select_n3A_1358 : vector<16xf32>
    %lt3A_1360 = arith.cmpf olt, %get3A_1323, %max3A_1345 : vector<16xf32>
    %select_n3A_1361 = arith.select %lt3A_1360, %get3A_1323, %broadcast_in_dim3A_1347 : vector<16xi1>, vector<16xf32>
    %max3A_1362 = arith.maximumf %max3A_1359, %select_n3A_1361 : vector<16xf32>
    %lt3A_1363 = arith.cmpf olt, %get3A_1328, %max3A_1345 : vector<16xf32>
    %select_n3A_1364 = arith.select %lt3A_1363, %get3A_1328, %broadcast_in_dim3A_1347 : vector<16xi1>, vector<16xf32>
    %max3A_1365 = arith.maximumf %max3A_1362, %select_n3A_1364 : vector<16xf32>
    %lt3A_1366 = arith.cmpf olt, %get3A_1333, %max3A_1345 : vector<16xf32>
    %select_n3A_1367 = arith.select %lt3A_1366, %get3A_1333, %broadcast_in_dim3A_1347 : vector<16xi1>, vector<16xf32>
    %max3A_1368 = arith.maximumf %max3A_1365, %select_n3A_1367 : vector<16xf32>
    %lt3A_1369 = arith.cmpf olt, %get3A_1338, %max3A_1345 : vector<16xf32>
    %select_n3A_1370 = arith.select %lt3A_1369, %get3A_1338, %broadcast_in_dim3A_1347 : vector<16xi1>, vector<16xf32>
    %max3A_1371 = arith.maximumf %max3A_1368, %select_n3A_1370 : vector<16xf32>
    %ge3A_1372 = arith.cmpf oge, %get3A_1303, %max3A_1371 : vector<16xf32>
    %sub3A_1373 = arith.subf %get3A_1303, %max3A_1345 : vector<16xf32>
    %exp3A_1374 = math.exp %sub3A_1373 : vector<16xf32>
    %jit3A_1375 = arith.constant 0.000000e+00 : f32
    %broadcast_in_dim3A_1376 = vector.broadcast %jit3A_1375 : f32 to vector<16xf32>
    %select_n3A_1377 = arith.select %ge3A_1372, %exp3A_1374, %broadcast_in_dim3A_1376 : vector<16xi1>, vector<16xf32>
    %ge3A_1378 = arith.cmpf oge, %get3A_1308, %max3A_1371 : vector<16xf32>
    %sub3A_1379 = arith.subf %get3A_1308, %max3A_1345 : vector<16xf32>
    %exp3A_1380 = math.exp %sub3A_1379 : vector<16xf32>
    %jit3A_1381 = arith.constant 0.000000e+00 : f32
    %broadcast_in_dim3A_1382 = vector.broadcast %jit3A_1381 : f32 to vector<16xf32>
    %select_n3A_1383 = arith.select %ge3A_1378, %exp3A_1380, %broadcast_in_dim3A_1382 : vector<16xi1>, vector<16xf32>
    %ge3A_1384 = arith.cmpf oge, %get3A_1313, %max3A_1371 : vector<16xf32>
    %sub3A_1385 = arith.subf %get3A_1313, %max3A_1345 : vector<16xf32>
    %exp3A_1386 = math.exp %sub3A_1385 : vector<16xf32>
    %jit3A_1387 = arith.constant 0.000000e+00 : f32
    %broadcast_in_dim3A_1388 = vector.broadcast %jit3A_1387 : f32 to vector<16xf32>
    %select_n3A_1389 = arith.select %ge3A_1384, %exp3A_1386, %broadcast_in_dim3A_1388 : vector<16xi1>, vector<16xf32>
    %ge3A_1390 = arith.cmpf oge, %get3A_1318, %max3A_1371 : vector<16xf32>
    %sub3A_1391 = arith.subf %get3A_1318, %max3A_1345 : vector<16xf32>
    %exp3A_1392 = math.exp %sub3A_1391 : vector<16xf32>
    %jit3A_1393 = arith.constant 0.000000e+00 : f32
    %broadcast_in_dim3A_1394 = vector.broadcast %jit3A_1393 : f32 to vector<16xf32>
    %select_n3A_1395 = arith.select %ge3A_1390, %exp3A_1392, %broadcast_in_dim3A_1394 : vector<16xi1>, vector<16xf32>
    %ge3A_1396 = arith.cmpf oge, %get3A_1323, %max3A_1371 : vector<16xf32>
    %sub3A_1397 = arith.subf %get3A_1323, %max3A_1345 : vector<16xf32>
    %exp3A_1398 = math.exp %sub3A_1397 : vector<16xf32>
    %jit3A_1399 = arith.constant 0.000000e+00 : f32
    %broadcast_in_dim3A_1400 = vector.broadcast %jit3A_1399 : f32 to vector<16xf32>
    %select_n3A_1401 = arith.select %ge3A_1396, %exp3A_1398, %broadcast_in_dim3A_1400 : vector<16xi1>, vector<16xf32>
    %ge3A_1402 = arith.cmpf oge, %get3A_1328, %max3A_1371 : vector<16xf32>
    %sub3A_1403 = arith.subf %get3A_1328, %max3A_1345 : vector<16xf32>
    %exp3A_1404 = math.exp %sub3A_1403 : vector<16xf32>
    %jit3A_1405 = arith.constant 0.000000e+00 : f32
    %broadcast_in_dim3A_1406 = vector.broadcast %jit3A_1405 : f32 to vector<16xf32>
    %select_n3A_1407 = arith.select %ge3A_1402, %exp3A_1404, %broadcast_in_dim3A_1406 : vector<16xi1>, vector<16xf32>
    %ge3A_1408 = arith.cmpf oge, %get3A_1333, %max3A_1371 : vector<16xf32>
    %sub3A_1409 = arith.subf %get3A_1333, %max3A_1345 : vector<16xf32>
    %exp3A_1410 = math.exp %sub3A_1409 : vector<16xf32>
    %jit3A_1411 = arith.constant 0.000000e+00 : f32
    %broadcast_in_dim3A_1412 = vector.broadcast %jit3A_1411 : f32 to vector<16xf32>
    %select_n3A_1413 = arith.select %ge3A_1408, %exp3A_1410, %broadcast_in_dim3A_1412 : vector<16xi1>, vector<16xf32>
    %ge3A_1414 = arith.cmpf oge, %get3A_1338, %max3A_1371 : vector<16xf32>
    %sub3A_1415 = arith.subf %get3A_1338, %max3A_1345 : vector<16xf32>
    %exp3A_1416 = math.exp %sub3A_1415 : vector<16xf32>
    %jit3A_1417 = arith.constant 0.000000e+00 : f32
    %broadcast_in_dim3A_1418 = vector.broadcast %jit3A_1417 : f32 to vector<16xf32>
    %select_n3A_1419 = arith.select %ge3A_1414, %exp3A_1416, %broadcast_in_dim3A_1418 : vector<16xi1>, vector<16xf32>
    %add3A_1420 = arith.addf %select_n3A_1377, %select_n3A_1383 : vector<16xf32>
    %add3A_1421 = arith.addf %add3A_1420, %select_n3A_1389 : vector<16xf32>
    %add3A_1422 = arith.addf %add3A_1421, %select_n3A_1395 : vector<16xf32>
    %add3A_1423 = arith.addf %add3A_1422, %select_n3A_1401 : vector<16xf32>
    %add3A_1424 = arith.addf %add3A_1423, %select_n3A_1407 : vector<16xf32>
    %add3A_1425 = arith.addf %add3A_1424, %select_n3A_1413 : vector<16xf32>
    %add3A_1426 = arith.addf %add3A_1425, %select_n3A_1419 : vector<16xf32>
    %div3A_1427 = arith.constant 1.000000e+00 : f32
    %div3A_1428 = vector.broadcast %div3A_1427 : f32 to vector<16xf32>
    %div3A_1429 = arith.divf %div3A_1428, %add3A_1426 : vector<16xf32>
    %mul3A_1430 = arith.mulf %select_n3A_1377, %div3A_1429 : vector<16xf32>
    %swap3A_1431 = arith.constant 0 : i32
    %swap3A_1432 = arith.index_cast %swap3A_1431 : i32 to index
    %swap3A_1433 = arith.constant 112 : index
    %swap3A_1434 = tpu.vector_load %arg5[%swap3A_1432, %swap3A_1433] {strides = array<i32>} : memref<8x128xf32, #tpu.memory_space<vmem>>, vector<1x16xf32>,
    %swap3A_1435 = vector.shape_cast %swap3A_1434 : vector<1x16xf32> to vector<16xf32>
    %swap3A_1436 = vector.shape_cast %mul3A_1430 : vector<16xf32> to vector<1x16xf32>
    tpu.vector_store %arg5[%swap3A_1432, %swap3A_1433], %swap3A_1436 {strides = array<i32>} : memref<8x128xf32, #tpu.memory_space<vmem>>, vector<1x16xf32>,
    %mul3A_1437 = arith.mulf %select_n3A_1383, %div3A_1429 : vector<16xf32>
    %swap3A_1438 = arith.constant 1 : i32
    %swap3A_1439 = arith.index_cast %swap3A_1438 : i32 to index
    %swap3A_1440 = arith.constant 112 : index
    %swap3A_1441 = tpu.vector_load %arg5[%swap3A_1439, %swap3A_1440] {strides = array<i32>} : memref<8x128xf32, #tpu.memory_space<vmem>>, vector<1x16xf32>,
    %swap3A_1442 = vector.shape_cast %swap3A_1441 : vector<1x16xf32> to vector<16xf32>
    %swap3A_1443 = vector.shape_cast %mul3A_1437 : vector<16xf32> to vector<1x16xf32>
    tpu.vector_store %arg5[%swap3A_1439, %swap3A_1440], %swap3A_1443 {strides = array<i32>} : memref<8x128xf32, #tpu.memory_space<vmem>>, vector<1x16xf32>,
    %mul3A_1444 = arith.mulf %select_n3A_1389, %div3A_1429 : vector<16xf32>
    %swap3A_1445 = arith.constant 2 : i32
    %swap3A_1446 = arith.index_cast %swap3A_1445 : i32 to index
    %swap3A_1447 = arith.constant 112 : index
    %swap3A_1448 = tpu.vector_load %arg5[%swap3A_1446, %swap3A_1447] {strides = array<i32>} : memref<8x128xf32, #tpu.memory_space<vmem>>, vector<1x16xf32>,
    %swap3A_1449 = vector.shape_cast %swap3A_1448 : vector<1x16xf32> to vector<16xf32>
    %swap3A_1450 = vector.shape_cast %mul3A_1444 : vector<16xf32> to vector<1x16xf32>
    tpu.vector_store %arg5[%swap3A_1446, %swap3A_1447], %swap3A_1450 {strides = array<i32>} : memref<8x128xf32, #tpu.memory_space<vmem>>, vector<1x16xf32>,
    %mul3A_1451 = arith.mulf %select_n3A_1395, %div3A_1429 : vector<16xf32>
    %swap3A_1452 = arith.constant 3 : i32
    %swap3A_1453 = arith.index_cast %swap3A_1452 : i32 to index
    %swap3A_1454 = arith.constant 112 : index
    %swap3A_1455 = tpu.vector_load %arg5[%swap3A_1453, %swap3A_1454] {strides = array<i32>} : memref<8x128xf32, #tpu.memory_space<vmem>>, vector<1x16xf32>,
    %swap3A_1456 = vector.shape_cast %swap3A_1455 : vector<1x16xf32> to vector<16xf32>
    %swap3A_1457 = vector.shape_cast %mul3A_1451 : vector<16xf32> to vector<1x16xf32>
    tpu.vector_store %arg5[%swap3A_1453, %swap3A_1454], %swap3A_1457 {strides = array<i32>} : memref<8x128xf32, #tpu.memory_space<vmem>>, vector<1x16xf32>,
    %mul3A_1458 = arith.mulf %select_n3A_1401, %div3A_1429 : vector<16xf32>
    %swap3A_1459 = arith.constant 4 : i32
    %swap3A_1460 = arith.index_cast %swap3A_1459 : i32 to index
    %swap3A_1461 = arith.constant 112 : index
    %swap3A_1462 = tpu.vector_load %arg5[%swap3A_1460, %swap3A_1461] {strides = array<i32>} : memref<8x128xf32, #tpu.memory_space<vmem>>, vector<1x16xf32>,
    %swap3A_1463 = vector.shape_cast %swap3A_1462 : vector<1x16xf32> to vector<16xf32>
    %swap3A_1464 = vector.shape_cast %mul3A_1458 : vector<16xf32> to vector<1x16xf32>
    tpu.vector_store %arg5[%swap3A_1460, %swap3A_1461], %swap3A_1464 {strides = array<i32>} : memref<8x128xf32, #tpu.memory_space<vmem>>, vector<1x16xf32>,
    %mul3A_1465 = arith.mulf %select_n3A_1407, %div3A_1429 : vector<16xf32>
    %swap3A_1466 = arith.constant 5 : i32
    %swap3A_1467 = arith.index_cast %swap3A_1466 : i32 to index
    %swap3A_1468 = arith.constant 112 : index
    %swap3A_1469 = tpu.vector_load %arg5[%swap3A_1467, %swap3A_1468] {strides = array<i32>} : memref<8x128xf32, #tpu.memory_space<vmem>>, vector<1x16xf32>,
    %swap3A_1470 = vector.shape_cast %swap3A_1469 : vector<1x16xf32> to vector<16xf32>
    %swap3A_1471 = vector.shape_cast %mul3A_1465 : vector<16xf32> to vector<1x16xf32>
    tpu.vector_store %arg5[%swap3A_1467, %swap3A_1468], %swap3A_1471 {strides = array<i32>} : memref<8x128xf32, #tpu.memory_space<vmem>>, vector<1x16xf32>,
    %mul3A_1472 = arith.mulf %select_n3A_1413, %div3A_1429 : vector<16xf32>
    %swap3A_1473 = arith.constant 6 : i32
    %swap3A_1474 = arith.index_cast %swap3A_1473 : i32 to index
    %swap3A_1475 = arith.constant 112 : index
    %swap3A_1476 = tpu.vector_load %arg5[%swap3A_1474, %swap3A_1475] {strides = array<i32>} : memref<8x128xf32, #tpu.memory_space<vmem>>, vector<1x16xf32>,
    %swap3A_1477 = vector.shape_cast %swap3A_1476 : vector<1x16xf32> to vector<16xf32>
    %swap3A_1478 = vector.shape_cast %mul3A_1472 : vector<16xf32> to vector<1x16xf32>
    tpu.vector_store %arg5[%swap3A_1474, %swap3A_1475], %swap3A_1478 {strides = array<i32>} : memref<8x128xf32, #tpu.memory_space<vmem>>, vector<1x16xf32>,
    %mul3A_1479 = arith.mulf %select_n3A_1419, %div3A_1429 : vector<16xf32>
    %swap3A_1480 = arith.constant 7 : i32
    %swap3A_1481 = arith.index_cast %swap3A_1480 : i32 to index
    %swap3A_1482 = arith.constant 112 : index
    %swap3A_1483 = tpu.vector_load %arg5[%swap3A_1481, %swap3A_1482] {strides = array<i32>} : memref<8x128xf32, #tpu.memory_space<vmem>>, vector<1x16xf32>,
    %swap3A_1484 = vector.shape_cast %swap3A_1483 : vector<1x16xf32> to vector<16xf32>
    %swap3A_1485 = vector.shape_cast %mul3A_1479 : vector<16xf32> to vector<1x16xf32>
    tpu.vector_store %arg5[%swap3A_1481, %swap3A_1482], %swap3A_1485 {strides = array<i32>} : memref<8x128xf32, #tpu.memory_space<vmem>>, vector<1x16xf32>,
    "tpu.region"() ({
      %run_scoped3A = tpu.sem_alloc : memref<!tpu.dma_semaphore, #tpu.memory_space<semaphore_mem>>
      %dma_start3A = arith.constant 0 : i32
      %dma_start3A_1486 = arith.constant 0 : i32
      %dma_start3A_1487 = tpu.memref_slice %arg3[%add3A, %dma_start3A, %dma_start3A_1486] : memref<32x8x128xf32, #tpu.memory_space<hbm>> -> memref<1x8x128xf32, #tpu.memory_space<hbm>>
      %dma_start3A_1488 = tpu.memref_squeeze %dma_start3A_1487 : memref<1x8x128xf32, #tpu.memory_space<hbm>> -> memref<8x128xf32, #tpu.memory_space<hbm>>
      %dma_start3A_1489 = arith.constant 0 : i32
      %dma_start3A_1490 = arith.constant 0 : i32
      %dma_start3A_1491 = tpu.memref_slice %arg3[%add3A, %dma_start3A_1489, %dma_start3A_1490] : memref<32x8x128xf32, #tpu.memory_space<hbm>> -> memref<1x8x128xf32, #tpu.memory_space<hbm>>
      %dma_start3A_1492 = tpu.memref_squeeze %dma_start3A_1491 : memref<1x8x128xf32, #tpu.memory_space<hbm>> -> memref<8x128xf32, #tpu.memory_space<hbm>>
      tpu.enqueue_dma source(%arg5 : memref<8x128xf32, #tpu.memory_space<vmem>>) target(%dma_start3A_1492 : memref<8x128xf32, #tpu.memory_space<hbm>>) target_semaphore(%run_scoped3A : memref<!tpu.dma_semaphore, #tpu.memory_space<semaphore_mem>>)
      %dma_wait3A = arith.constant 0 : i32
      %dma_wait3A_1493 = arith.constant 0 : i32
      %dma_wait3A_1494 = tpu.memref_slice %arg3[%add3A, %dma_wait3A, %dma_wait3A_1493] : memref<32x8x128xf32, #tpu.memory_space<hbm>> -> memref<1x8x128xf32, #tpu.memory_space<hbm>>
      %dma_wait3A_1495 = tpu.memref_squeeze %dma_wait3A_1494 : memref<1x8x128xf32, #tpu.memory_space<hbm>> -> memref<8x128xf32, #tpu.memory_space<hbm>>
      %dma_wait3A_1496 = arith.constant 0 : i32
      %dma_wait3A_1497 = arith.constant 0 : i32
      %dma_wait3A_1498 = tpu.memref_slice %arg3[%add3A, %dma_wait3A_1496, %dma_wait3A_1497] : memref<32x8x128xf32, #tpu.memory_space<hbm>> -> memref<1x8x128xf32, #tpu.memory_space<hbm>>
      %dma_wait3A_1499 = tpu.memref_squeeze %dma_wait3A_1498 : memref<1x8x128xf32, #tpu.memory_space<hbm>> -> memref<8x128xf32, #tpu.memory_space<hbm>>
      tpu.wait_dma2 semaphore(%run_scoped3A : memref<!tpu.dma_semaphore, #tpu.memory_space<semaphore_mem>>) src(%arg5 : memref<8x128xf32, #tpu.memory_space<vmem>>) dst(%dma_wait3A_1499 : memref<8x128xf32, #tpu.memory_space<hbm>>)
      tpu.yield
    }) : () -> ()
    return
  }
}

module attributes {stable_mosaic.version = 14 : i64} {
  func.func @_router_kernel(%arg0: i32, %arg1: memref<1024x2048xf32, #tpu.memory_space<vmem>>, %arg2: memref<8x2048xf32, #tpu.memory_space<vmem>>, %arg3: memref<128x2048xf32, #tpu.memory_space<vmem>>, %arg4: memref<8x8x128xf32, #tpu.memory_space<vmem>>, %arg5: memref<1024x128xf32, #tpu.memory_space<vmem>>) attributes {dimension_semantics = [#tpu.dimension_semantics<arbitrary>], iteration_bounds = array<i64: 4>, scalar_prefetch = 0 : i64, scratch_operands = 0 : i64, tpu.core_type = #tpu.core_type<tc>, window_params = [{transform_indices = @transform_0, window_bounds = array<i64: 1024, 2048>}, {pipeline_mode = #tpu.pipeline_mode<synchronous>, transform_indices = @transform_1, window_bounds = array<i64: 8, 2048>}, {pipeline_mode = #tpu.pipeline_mode<synchronous>, transform_indices = @transform_2, window_bounds = array<i64: 128, 2048>}, {transform_indices = @transform_3, window_bounds = array<i64: 8, 8, 128>}, {transform_indices = @transform_4, window_bounds = array<i64: 1024, 128>}]} {
    %get3A = arith.constant 0 : index
    %get3A_0 = arith.constant 0 : index
    %get3A_1 = vector.load %arg1[%get3A, %get3A_0] : memref<1024x2048xf32, #tpu.memory_space<vmem>>, vector<1024x2048xf32>
    %get3A_2 = arith.constant 0 : index
    %get3A_3 = arith.constant 0 : index
    %get3A_4 = vector.load %arg2[%get3A_2, %get3A_3] : memref<8x2048xf32, #tpu.memory_space<vmem>>, vector<8x2048xf32>
    %slice3A = vector.extract_strided_slice %get3A_1 {offsets = [0, 0], sizes = [128, 2048], strides = [1, 1]} : vector<1024x2048xf32> to vector<128x2048xf32>
    %dot_general3A = arith.constant dense<0.000000e+00> : vector<8x128xf32>
    %dot_general3A_5 = tpu.matmul %get3A_4, %slice3A, %dot_general3A {dimension_numbers = #tpu.dot_dimension_numbers<[1], [1], [0], [0], [0, 0, 1, 0], [], []>, transpose_lhs_hint = false} : vector<8x2048xf32>, vector<128x2048xf32>, vector<8x128xf32> -> vector<8x128xf32>
    %swap3A = arith.constant 0 : index
    %swap3A_6 = arith.constant 0 : index
    %swap3A_7 = arith.constant 0 : index
    %swap3A_8 = vector.load %arg4[%swap3A, %swap3A_6, %swap3A_7] : memref<8x8x128xf32, #tpu.memory_space<vmem>>, vector<1x8x128xf32>
    %swap3A_9 = vector.shape_cast %swap3A_8 : vector<1x8x128xf32> to vector<8x128xf32>
    %swap3A_10 = vector.shape_cast %dot_general3A_5 : vector<8x128xf32> to vector<1x8x128xf32>
    tpu.vector_store %arg4[%swap3A, %swap3A_6, %swap3A_7], %swap3A_10 {strides = array<i32>} : memref<8x8x128xf32, #tpu.memory_space<vmem>>, vector<1x8x128xf32>,
    %get3A_11 = arith.constant 0 : index
    %get3A_12 = arith.constant 0 : index
    %get3A_13 = vector.load %arg2[%get3A_11, %get3A_12] : memref<8x2048xf32, #tpu.memory_space<vmem>>, vector<8x2048xf32>
    %slice3A_14 = vector.extract_strided_slice %get3A_1 {offsets = [128, 0], sizes = [128, 2048], strides = [1, 1]} : vector<1024x2048xf32> to vector<128x2048xf32>
    %dot_general3A_15 = arith.constant dense<0.000000e+00> : vector<8x128xf32>
    %dot_general3A_16 = tpu.matmul %get3A_13, %slice3A_14, %dot_general3A_15 {dimension_numbers = #tpu.dot_dimension_numbers<[1], [1], [0], [0], [0, 0, 1, 0], [], []>, transpose_lhs_hint = false} : vector<8x2048xf32>, vector<128x2048xf32>, vector<8x128xf32> -> vector<8x128xf32>
    %swap3A_17 = arith.constant 1 : index
    %swap3A_18 = arith.constant 0 : index
    %swap3A_19 = arith.constant 0 : index
    %swap3A_20 = vector.load %arg4[%swap3A_17, %swap3A_18, %swap3A_19] : memref<8x8x128xf32, #tpu.memory_space<vmem>>, vector<1x8x128xf32>
    %swap3A_21 = vector.shape_cast %swap3A_20 : vector<1x8x128xf32> to vector<8x128xf32>
    %swap3A_22 = vector.shape_cast %dot_general3A_16 : vector<8x128xf32> to vector<1x8x128xf32>
    tpu.vector_store %arg4[%swap3A_17, %swap3A_18, %swap3A_19], %swap3A_22 {strides = array<i32>} : memref<8x8x128xf32, #tpu.memory_space<vmem>>, vector<1x8x128xf32>,
    %get3A_23 = arith.constant 0 : index
    %get3A_24 = arith.constant 0 : index
    %get3A_25 = vector.load %arg2[%get3A_23, %get3A_24] : memref<8x2048xf32, #tpu.memory_space<vmem>>, vector<8x2048xf32>
    %slice3A_26 = vector.extract_strided_slice %get3A_1 {offsets = [256, 0], sizes = [128, 2048], strides = [1, 1]} : vector<1024x2048xf32> to vector<128x2048xf32>
    %dot_general3A_27 = arith.constant dense<0.000000e+00> : vector<8x128xf32>
    %dot_general3A_28 = tpu.matmul %get3A_25, %slice3A_26, %dot_general3A_27 {dimension_numbers = #tpu.dot_dimension_numbers<[1], [1], [0], [0], [0, 0, 1, 0], [], []>, transpose_lhs_hint = false} : vector<8x2048xf32>, vector<128x2048xf32>, vector<8x128xf32> -> vector<8x128xf32>
    %swap3A_29 = arith.constant 2 : index
    %swap3A_30 = arith.constant 0 : index
    %swap3A_31 = arith.constant 0 : index
    %swap3A_32 = vector.load %arg4[%swap3A_29, %swap3A_30, %swap3A_31] : memref<8x8x128xf32, #tpu.memory_space<vmem>>, vector<1x8x128xf32>
    %swap3A_33 = vector.shape_cast %swap3A_32 : vector<1x8x128xf32> to vector<8x128xf32>
    %swap3A_34 = vector.shape_cast %dot_general3A_28 : vector<8x128xf32> to vector<1x8x128xf32>
    tpu.vector_store %arg4[%swap3A_29, %swap3A_30, %swap3A_31], %swap3A_34 {strides = array<i32>} : memref<8x8x128xf32, #tpu.memory_space<vmem>>, vector<1x8x128xf32>,
    %get3A_35 = arith.constant 0 : index
    %get3A_36 = arith.constant 0 : index
    %get3A_37 = vector.load %arg2[%get3A_35, %get3A_36] : memref<8x2048xf32, #tpu.memory_space<vmem>>, vector<8x2048xf32>
    %slice3A_38 = vector.extract_strided_slice %get3A_1 {offsets = [384, 0], sizes = [128, 2048], strides = [1, 1]} : vector<1024x2048xf32> to vector<128x2048xf32>
    %dot_general3A_39 = arith.constant dense<0.000000e+00> : vector<8x128xf32>
    %dot_general3A_40 = tpu.matmul %get3A_37, %slice3A_38, %dot_general3A_39 {dimension_numbers = #tpu.dot_dimension_numbers<[1], [1], [0], [0], [0, 0, 1, 0], [], []>, transpose_lhs_hint = false} : vector<8x2048xf32>, vector<128x2048xf32>, vector<8x128xf32> -> vector<8x128xf32>
    %swap3A_41 = arith.constant 3 : index
    %swap3A_42 = arith.constant 0 : index
    %swap3A_43 = arith.constant 0 : index
    %swap3A_44 = vector.load %arg4[%swap3A_41, %swap3A_42, %swap3A_43] : memref<8x8x128xf32, #tpu.memory_space<vmem>>, vector<1x8x128xf32>
    %swap3A_45 = vector.shape_cast %swap3A_44 : vector<1x8x128xf32> to vector<8x128xf32>
    %swap3A_46 = vector.shape_cast %dot_general3A_40 : vector<8x128xf32> to vector<1x8x128xf32>
    tpu.vector_store %arg4[%swap3A_41, %swap3A_42, %swap3A_43], %swap3A_46 {strides = array<i32>} : memref<8x8x128xf32, #tpu.memory_space<vmem>>, vector<1x8x128xf32>,
    %get3A_47 = arith.constant 0 : index
    %get3A_48 = arith.constant 0 : index
    %get3A_49 = vector.load %arg2[%get3A_47, %get3A_48] : memref<8x2048xf32, #tpu.memory_space<vmem>>, vector<8x2048xf32>
    %slice3A_50 = vector.extract_strided_slice %get3A_1 {offsets = [512, 0], sizes = [128, 2048], strides = [1, 1]} : vector<1024x2048xf32> to vector<128x2048xf32>
    %dot_general3A_51 = arith.constant dense<0.000000e+00> : vector<8x128xf32>
    %dot_general3A_52 = tpu.matmul %get3A_49, %slice3A_50, %dot_general3A_51 {dimension_numbers = #tpu.dot_dimension_numbers<[1], [1], [0], [0], [0, 0, 1, 0], [], []>, transpose_lhs_hint = false} : vector<8x2048xf32>, vector<128x2048xf32>, vector<8x128xf32> -> vector<8x128xf32>
    %swap3A_53 = arith.constant 4 : index
    %swap3A_54 = arith.constant 0 : index
    %swap3A_55 = arith.constant 0 : index
    %swap3A_56 = vector.load %arg4[%swap3A_53, %swap3A_54, %swap3A_55] : memref<8x8x128xf32, #tpu.memory_space<vmem>>, vector<1x8x128xf32>
    %swap3A_57 = vector.shape_cast %swap3A_56 : vector<1x8x128xf32> to vector<8x128xf32>
    %swap3A_58 = vector.shape_cast %dot_general3A_52 : vector<8x128xf32> to vector<1x8x128xf32>
    tpu.vector_store %arg4[%swap3A_53, %swap3A_54, %swap3A_55], %swap3A_58 {strides = array<i32>} : memref<8x8x128xf32, #tpu.memory_space<vmem>>, vector<1x8x128xf32>,
    %get3A_59 = arith.constant 0 : index
    %get3A_60 = arith.constant 0 : index
    %get3A_61 = vector.load %arg2[%get3A_59, %get3A_60] : memref<8x2048xf32, #tpu.memory_space<vmem>>, vector<8x2048xf32>
    %slice3A_62 = vector.extract_strided_slice %get3A_1 {offsets = [640, 0], sizes = [128, 2048], strides = [1, 1]} : vector<1024x2048xf32> to vector<128x2048xf32>
    %dot_general3A_63 = arith.constant dense<0.000000e+00> : vector<8x128xf32>
    %dot_general3A_64 = tpu.matmul %get3A_61, %slice3A_62, %dot_general3A_63 {dimension_numbers = #tpu.dot_dimension_numbers<[1], [1], [0], [0], [0, 0, 1, 0], [], []>, transpose_lhs_hint = false} : vector<8x2048xf32>, vector<128x2048xf32>, vector<8x128xf32> -> vector<8x128xf32>
    %swap3A_65 = arith.constant 5 : index
    %swap3A_66 = arith.constant 0 : index
    %swap3A_67 = arith.constant 0 : index
    %swap3A_68 = vector.load %arg4[%swap3A_65, %swap3A_66, %swap3A_67] : memref<8x8x128xf32, #tpu.memory_space<vmem>>, vector<1x8x128xf32>
    %swap3A_69 = vector.shape_cast %swap3A_68 : vector<1x8x128xf32> to vector<8x128xf32>
    %swap3A_70 = vector.shape_cast %dot_general3A_64 : vector<8x128xf32> to vector<1x8x128xf32>
    tpu.vector_store %arg4[%swap3A_65, %swap3A_66, %swap3A_67], %swap3A_70 {strides = array<i32>} : memref<8x8x128xf32, #tpu.memory_space<vmem>>, vector<1x8x128xf32>,
    %get3A_71 = arith.constant 0 : index
    %get3A_72 = arith.constant 0 : index
    %get3A_73 = vector.load %arg2[%get3A_71, %get3A_72] : memref<8x2048xf32, #tpu.memory_space<vmem>>, vector<8x2048xf32>
    %slice3A_74 = vector.extract_strided_slice %get3A_1 {offsets = [768, 0], sizes = [128, 2048], strides = [1, 1]} : vector<1024x2048xf32> to vector<128x2048xf32>
    %dot_general3A_75 = arith.constant dense<0.000000e+00> : vector<8x128xf32>
    %dot_general3A_76 = tpu.matmul %get3A_73, %slice3A_74, %dot_general3A_75 {dimension_numbers = #tpu.dot_dimension_numbers<[1], [1], [0], [0], [0, 0, 1, 0], [], []>, transpose_lhs_hint = false} : vector<8x2048xf32>, vector<128x2048xf32>, vector<8x128xf32> -> vector<8x128xf32>
    %swap3A_77 = arith.constant 6 : index
    %swap3A_78 = arith.constant 0 : index
    %swap3A_79 = arith.constant 0 : index
    %swap3A_80 = vector.load %arg4[%swap3A_77, %swap3A_78, %swap3A_79] : memref<8x8x128xf32, #tpu.memory_space<vmem>>, vector<1x8x128xf32>
    %swap3A_81 = vector.shape_cast %swap3A_80 : vector<1x8x128xf32> to vector<8x128xf32>
    %swap3A_82 = vector.shape_cast %dot_general3A_76 : vector<8x128xf32> to vector<1x8x128xf32>
    tpu.vector_store %arg4[%swap3A_77, %swap3A_78, %swap3A_79], %swap3A_82 {strides = array<i32>} : memref<8x8x128xf32, #tpu.memory_space<vmem>>, vector<1x8x128xf32>,
    %get3A_83 = arith.constant 0 : index
    %get3A_84 = arith.constant 0 : index
    %get3A_85 = vector.load %arg2[%get3A_83, %get3A_84] : memref<8x2048xf32, #tpu.memory_space<vmem>>, vector<8x2048xf32>
    %slice3A_86 = vector.extract_strided_slice %get3A_1 {offsets = [896, 0], sizes = [128, 2048], strides = [1, 1]} : vector<1024x2048xf32> to vector<128x2048xf32>
    %dot_general3A_87 = arith.constant dense<0.000000e+00> : vector<8x128xf32>
    %dot_general3A_88 = tpu.matmul %get3A_85, %slice3A_86, %dot_general3A_87 {dimension_numbers = #tpu.dot_dimension_numbers<[1], [1], [0], [0], [0, 0, 1, 0], [], []>, transpose_lhs_hint = false} : vector<8x2048xf32>, vector<128x2048xf32>, vector<8x128xf32> -> vector<8x128xf32>
    %swap3A_89 = arith.constant 7 : index
    %swap3A_90 = arith.constant 0 : index
    %swap3A_91 = arith.constant 0 : index
    %swap3A_92 = vector.load %arg4[%swap3A_89, %swap3A_90, %swap3A_91] : memref<8x8x128xf32, #tpu.memory_space<vmem>>, vector<1x8x128xf32>
    %swap3A_93 = vector.shape_cast %swap3A_92 : vector<1x8x128xf32> to vector<8x128xf32>
    %swap3A_94 = vector.shape_cast %dot_general3A_88 : vector<8x128xf32> to vector<1x8x128xf32>
    tpu.vector_store %arg4[%swap3A_89, %swap3A_90, %swap3A_91], %swap3A_94 {strides = array<i32>} : memref<8x8x128xf32, #tpu.memory_space<vmem>>, vector<1x8x128xf32>,
    %get3A_95 = arith.constant 0 : index
    %get3A_96 = arith.constant 0 : index
    %get3A_97 = vector.load %arg3[%get3A_95, %get3A_96] : memref<128x2048xf32, #tpu.memory_space<vmem>>, vector<128x2048xf32>
    %dot_general3A_98 = arith.constant dense<0.000000e+00> : vector<1024x128xf32>
    %dot_general3A_99 = tpu.matmul %get3A_1, %get3A_97, %dot_general3A_98 {dimension_numbers = #tpu.dot_dimension_numbers<[1], [1], [0], [0], [0, 0, 1, 0], [], []>, transpose_lhs_hint = false} : vector<1024x2048xf32>, vector<128x2048xf32>, vector<1024x128xf32> -> vector<1024x128xf32>
    %swap3A_100 = arith.constant 0 : index
    %swap3A_101 = arith.constant 0 : index
    %swap3A_102 = vector.load %arg5[%swap3A_100, %swap3A_101] : memref<1024x128xf32, #tpu.memory_space<vmem>>, vector<1024x128xf32>
    tpu.vector_store %arg5[%swap3A_100, %swap3A_101], %dot_general3A_99 {strides = array<i32>} : memref<1024x128xf32, #tpu.memory_space<vmem>>, vector<1024x128xf32>,
    return
  }
  func.func @transform_0(%arg0: i32) -> (i32, i32) {
    %c0_i32 = arith.constant 0 : i32
    %c0_i32_0 = arith.constant 0 : i32
    return %arg0, %c0_i32 : i32, i32
  }
  func.func @transform_1(%arg0: i32) -> (i32, i32) {
    %c0_i32 = arith.constant 0 : i32
    %c0_i32_0 = arith.constant 0 : i32
    %c0_i32_1 = arith.constant 0 : i32
    return %c0_i32, %c0_i32_0 : i32, i32
  }
  func.func @transform_2(%arg0: i32) -> (i32, i32) {
    %c0_i32 = arith.constant 0 : i32
    %c0_i32_0 = arith.constant 0 : i32
    %c0_i32_1 = arith.constant 0 : i32
    return %c0_i32, %c0_i32_0 : i32, i32
  }
  func.func @transform_3(%arg0: i32) -> (i32, i32, i32) {
    %c0_i32 = arith.constant 0 : i32
    %c0_i32_0 = arith.constant 0 : i32
    %c0_i32_1 = arith.constant 0 : i32
    return %arg0, %c0_i32, %c0_i32_0 : i32, i32, i32
  }
  func.func @transform_4(%arg0: i32) -> (i32, i32) {
    %c0_i32 = arith.constant 0 : i32
    %c0_i32_0 = arith.constant 0 : i32
    return %arg0, %c0_i32 : i32, i32
  }
}

module attributes {stable_mosaic.version = 14 : i64} {
  func.func @_main_kernel(%arg0: i32, %arg1: memref<512x2048xf32, #tpu.memory_space<vmem>>, %arg2: memref<2048x2048xf32, #tpu.memory_space<vmem>>, %arg3: memref<512x128xf32, #tpu.memory_space<vmem>>, %arg4: memref<2048x128xf32, #tpu.memory_space<vmem>>, %arg5: memref<8x128xf32, #tpu.memory_space<vmem>>, %arg6: memref<1x2048xf32, #tpu.memory_space<vmem>>, %arg7: memref<4x8x128xf32, #tpu.memory_space<vmem>>, %arg8: memref<512x2048xf32, #tpu.memory_space<vmem>>) attributes {dimension_semantics = [#tpu.dimension_semantics<arbitrary>], iteration_bounds = array<i64: 8>, scalar_prefetch = 0 : i64, scratch_operands = 0 : i64, tpu.core_type = #tpu.core_type<tc>, window_params = [{transform_indices = @transform_0, window_bounds = array<i64: 512, 2048>}, {pipeline_mode = #tpu.pipeline_mode<synchronous>, transform_indices = @transform_1, window_bounds = array<i64: 2048, 2048>}, {transform_indices = @transform_2, window_bounds = array<i64: 512, 128>}, {pipeline_mode = #tpu.pipeline_mode<synchronous>, transform_indices = @transform_3, window_bounds = array<i64: 2048, 128>}, {pipeline_mode = #tpu.pipeline_mode<synchronous>, transform_indices = @transform_4, window_bounds = array<i64: 8, 128>}, {pipeline_mode = #tpu.pipeline_mode<synchronous>, transform_indices = @transform_5, window_bounds = array<i64: 1, 2048>}, {transform_indices = @transform_6, window_bounds = array<i64: 4, 8, 128>}, {transform_indices = @transform_7, window_bounds = array<i64: 512, 2048>}]} {
    %get3A = arith.constant 0 : index
    %get3A_0 = arith.constant 0 : index
    %get3A_1 = vector.load %arg1[%get3A, %get3A_0] : memref<512x2048xf32, #tpu.memory_space<vmem>>, vector<512x2048xf32>
    %get3A_2 = arith.constant 0 : index
    %get3A_3 = arith.constant 0 : index
    %get3A_4 = arith.constant 0 : index
    %get3A_5 = vector.load %arg7[%get3A_2, %get3A_3, %get3A_4] : memref<4x8x128xf32, #tpu.memory_space<vmem>>, vector<1x8x128xf32>
    %get3A_6 = vector.shape_cast %get3A_5 : vector<1x8x128xf32> to vector<8x128xf32>
    %get3A_7 = arith.constant 0 : index
    %get3A_8 = arith.constant 0 : index
    %get3A_9 = vector.load %arg5[%get3A_7, %get3A_8] : memref<8x128xf32, #tpu.memory_space<vmem>>, vector<8x128xf32>
    %dot_general3A = arith.constant dense<0.000000e+00> : vector<128x128xf32>
    %dot_general3A_10 = tpu.matmul %get3A_6, %get3A_9, %dot_general3A {dimension_numbers = #tpu.dot_dimension_numbers<[0], [0], [1], [1], [0, 1, 1, 1], [], []>, transpose_lhs_hint = false} : vector<8x128xf32>, vector<8x128xf32>, vector<128x128xf32> -> vector<128x128xf32>
    %get3A_11 = arith.constant 1 : index
    %get3A_12 = arith.constant 0 : index
    %get3A_13 = arith.constant 0 : index
    %get3A_14 = vector.load %arg7[%get3A_11, %get3A_12, %get3A_13] : memref<4x8x128xf32, #tpu.memory_space<vmem>>, vector<1x8x128xf32>
    %get3A_15 = vector.shape_cast %get3A_14 : vector<1x8x128xf32> to vector<8x128xf32>
    %get3A_16 = arith.constant 0 : index
    %get3A_17 = arith.constant 0 : index
    %get3A_18 = vector.load %arg5[%get3A_16, %get3A_17] : memref<8x128xf32, #tpu.memory_space<vmem>>, vector<8x128xf32>
    %dot_general3A_19 = arith.constant dense<0.000000e+00> : vector<128x128xf32>
    %dot_general3A_20 = tpu.matmul %get3A_15, %get3A_18, %dot_general3A_19 {dimension_numbers = #tpu.dot_dimension_numbers<[0], [0], [1], [1], [0, 1, 1, 1], [], []>, transpose_lhs_hint = false} : vector<8x128xf32>, vector<8x128xf32>, vector<128x128xf32> -> vector<128x128xf32>
    %get3A_21 = arith.constant 2 : index
    %get3A_22 = arith.constant 0 : index
    %get3A_23 = arith.constant 0 : index
    %get3A_24 = vector.load %arg7[%get3A_21, %get3A_22, %get3A_23] : memref<4x8x128xf32, #tpu.memory_space<vmem>>, vector<1x8x128xf32>
    %get3A_25 = vector.shape_cast %get3A_24 : vector<1x8x128xf32> to vector<8x128xf32>
    %get3A_26 = arith.constant 0 : index
    %get3A_27 = arith.constant 0 : index
    %get3A_28 = vector.load %arg5[%get3A_26, %get3A_27] : memref<8x128xf32, #tpu.memory_space<vmem>>, vector<8x128xf32>
    %dot_general3A_29 = arith.constant dense<0.000000e+00> : vector<128x128xf32>
    %dot_general3A_30 = tpu.matmul %get3A_25, %get3A_28, %dot_general3A_29 {dimension_numbers = #tpu.dot_dimension_numbers<[0], [0], [1], [1], [0, 1, 1, 1], [], []>, transpose_lhs_hint = false} : vector<8x128xf32>, vector<8x128xf32>, vector<128x128xf32> -> vector<128x128xf32>
    %get3A_31 = arith.constant 3 : index
    %get3A_32 = arith.constant 0 : index
    %get3A_33 = arith.constant 0 : index
    %get3A_34 = vector.load %arg7[%get3A_31, %get3A_32, %get3A_33] : memref<4x8x128xf32, #tpu.memory_space<vmem>>, vector<1x8x128xf32>
    %get3A_35 = vector.shape_cast %get3A_34 : vector<1x8x128xf32> to vector<8x128xf32>
    %get3A_36 = arith.constant 0 : index
    %get3A_37 = arith.constant 0 : index
    %get3A_38 = vector.load %arg5[%get3A_36, %get3A_37] : memref<8x128xf32, #tpu.memory_space<vmem>>, vector<8x128xf32>
    %dot_general3A_39 = arith.constant dense<0.000000e+00> : vector<128x128xf32>
    %dot_general3A_40 = tpu.matmul %get3A_35, %get3A_38, %dot_general3A_39 {dimension_numbers = #tpu.dot_dimension_numbers<[0], [0], [1], [1], [0, 1, 1, 1], [], []>, transpose_lhs_hint = false} : vector<8x128xf32>, vector<8x128xf32>, vector<128x128xf32> -> vector<128x128xf32>
    %concatenate3A = tpu.concatenate %dot_general3A_10, %dot_general3A_20, %dot_general3A_30, %dot_general3A_40 in 0 : vector<128x128xf32>, vector<128x128xf32>, vector<128x128xf32>, vector<128x128xf32> -> vector<512x128xf32>
    %get3A_41 = arith.constant 0 : index
    %get3A_42 = arith.constant 0 : index
    %get3A_43 = vector.load %arg3[%get3A_41, %get3A_42] : memref<512x128xf32, #tpu.memory_space<vmem>>, vector<512x128xf32>
    %mul3A = arith.mulf %get3A_43, %concatenate3A : vector<512x128xf32>
    %get3A_44 = arith.constant 0 : index
    %get3A_45 = arith.constant 0 : index
    %get3A_46 = vector.load %arg4[%get3A_44, %get3A_45] : memref<2048x128xf32, #tpu.memory_space<vmem>>, vector<2048x128xf32>
    %dot_general3A_47 = arith.constant dense<0.000000e+00> : vector<512x2048xf32>
    %dot_general3A_48 = tpu.matmul %mul3A, %get3A_46, %dot_general3A_47 {dimension_numbers = #tpu.dot_dimension_numbers<[1], [1], [0], [0], [0, 0, 1, 0], [], []>, transpose_lhs_hint = false} : vector<512x128xf32>, vector<2048x128xf32>, vector<512x2048xf32> -> vector<512x2048xf32>
    %get3A_49 = arith.constant 0 : index
    %get3A_50 = arith.constant 0 : index
    %get3A_51 = vector.load %arg2[%get3A_49, %get3A_50] : memref<2048x2048xf32, #tpu.memory_space<vmem>>, vector<2048x2048xf32>
    %dot_general3A_52 = arith.constant dense<0.000000e+00> : vector<512x2048xf32>
    %dot_general3A_53 = tpu.matmul %get3A_1, %get3A_51, %dot_general3A_52 {dimension_numbers = #tpu.dot_dimension_numbers<[1], [1], [0], [0], [0, 0, 1, 0], [], []>, transpose_lhs_hint = false} : vector<512x2048xf32>, vector<2048x2048xf32>, vector<512x2048xf32> -> vector<512x2048xf32>
    %add3A = arith.addf %dot_general3A_53, %dot_general3A_48 : vector<512x2048xf32>
    %get3A_54 = arith.constant 0 : index
    %get3A_55 = arith.constant 0 : index
    %get3A_56 = vector.load %arg6[%get3A_54, %get3A_55] : memref<1x2048xf32, #tpu.memory_space<vmem>>, vector<1x2048xf32>
    %add3A_57 = vector.broadcast %get3A_56 : vector<1x2048xf32> to vector<512x2048xf32>
    %add3A_58 = arith.addf %add3A, %add3A_57 : vector<512x2048xf32>
    %swap3A = arith.constant 0 : index
    %swap3A_59 = arith.constant 0 : index
    %swap3A_60 = vector.load %arg8[%swap3A, %swap3A_59] : memref<512x2048xf32, #tpu.memory_space<vmem>>, vector<512x2048xf32>
    tpu.vector_store %arg8[%swap3A, %swap3A_59], %add3A_58 {strides = array<i32>} : memref<512x2048xf32, #tpu.memory_space<vmem>>, vector<512x2048xf32>,
    return
  }
  func.func @transform_0(%arg0: i32) -> (i32, i32) {
    %c0_i32 = arith.constant 0 : i32
    %c0_i32_0 = arith.constant 0 : i32
    return %arg0, %c0_i32 : i32, i32
  }
  func.func @transform_1(%arg0: i32) -> (i32, i32) {
    %c0_i32 = arith.constant 0 : i32
    %c0_i32_0 = arith.constant 0 : i32
    %c0_i32_1 = arith.constant 0 : i32
    return %c0_i32, %c0_i32_0 : i32, i32
  }
  func.func @transform_2(%arg0: i32) -> (i32, i32) {
    %c0_i32 = arith.constant 0 : i32
    %c0_i32_0 = arith.constant 0 : i32
    return %arg0, %c0_i32 : i32, i32
  }
  func.func @transform_3(%arg0: i32) -> (i32, i32) {
    %c0_i32 = arith.constant 0 : i32
    %c0_i32_0 = arith.constant 0 : i32
    %c0_i32_1 = arith.constant 0 : i32
    return %c0_i32, %c0_i32_0 : i32, i32
  }
  func.func @transform_4(%arg0: i32) -> (i32, i32) {
    %c0_i32 = arith.constant 0 : i32
    %c0_i32_0 = arith.constant 0 : i32
    %c0_i32_1 = arith.constant 0 : i32
    return %c0_i32, %c0_i32_0 : i32, i32
  }
  func.func @transform_5(%arg0: i32) -> (i32, i32) {
    %c0_i32 = arith.constant 0 : i32
    %c0_i32_0 = arith.constant 0 : i32
    %c0_i32_1 = arith.constant 0 : i32
    return %c0_i32, %c0_i32_0 : i32, i32
  }
  func.func @transform_6(%arg0: i32) -> (i32, i32, i32) {
    %c0_i32 = arith.constant 0 : i32
    %c0_i32_0 = arith.constant 0 : i32
    %c0_i32_1 = arith.constant 0 : i32
    return %arg0, %c0_i32, %c0_i32_0 : i32, i32, i32
  }
  func.func @transform_7(%arg0: i32) -> (i32, i32) {
    %c0_i32 = arith.constant 0 : i32
    %c0_i32_0 = arith.constant 0 : i32
    return %arg0, %c0_i32 : i32, i32
  }
}

</mosaic_0001>

<sc_bundles>
// kernel: kernel.5.cloned.1.call-start
scs
__scs_entry_jumppad:
0x0: {  	(pc) =	sbr.rel $0x88, $3  }
0x1: {  	(tag) =	ssettag $0x0;
	lr =	simm.s32 $0x1  }
0x2: {  	[smem:$0x3F9B] =	sst lr;
	_ =	strace $0xD0000000  }
0x3: {  	_ = 	snop  }
0x4: {  	_ = 	snop  }
0x5: {  	_ = 	snop  }
0x6: {  	_ = 	snop  }
0x7: {  	_ = 	snop  }
__scs_overlays_trampoline_lowered:
0x8: {  	[smem:$0x3FAA] =	sst s0  }
0x9: {  	[smem:$0x3FAB] =	sst s1  }
0xa: {  	[smem:$0x3FAC] =	sst s2  }
0xb: {  	[smem:$0x3FAD] =	sst s3  }
0xc: {  	[smem:$0x3FAE] =	sst s4  }
0xd: {  	[smem:$0x3FAF] =	sst s5  }
0xe: {  	[smem:$0x3FB0] =	sst s6  }
0xf: {  	[smem:$0x3FB1] =	sst s7  }
0x10: {  	[smem:$0x3FB2] =	sst s8  }
0x11: {  	[smem:$0x3FB3] =	sst s9;
	s0 =	simm.s32 @!p0 $0x0  }
0x12: {  	s1 =	sld [smem:$0x3F99];
	s0 =	simm.s32 @p0 $0x1  }
0x13: {  	[smem:$0x3FB4] =	sst s0;
	s0 =	simm.s32 @!p1 $0x0  }
0x14: {  	s2 =	sld [smem:$0x3F98];
	s0 =	simm.s32 @p1 $0x1  }
0x15: {  	[smem:$0x3FB5] =	sst s0;
	s0 =	simm.s32 @!p2 $0x0  }
0x16: {  	s3 =	sld [smem:$0x3FDB];
	s0 =	simm.s32 @p2 $0x1  }
0x17: {  	s4 =	simm.s32 $0x1BF5;
	[smem:$0x3FB7] =	sst s0  }
0x18: {  	s0 =	sld [smem:$0x3F9A];
	_ =	swait.ge [sflag:s4], $0x0  }
0x19: {  	s7 =	sld [smem:$0x3F9B]  }
0x1a: {  	s8 =	sadd.s32 $0xFFFFE003, lr  }
0x1b: {  	s9 =	sadd.s32 $0xFFFFFEF7, lr;
	s5 =	simm.s32 $0xFFFFFFFF;
	p2 =	slt.u32 s8, $0xFFFFF086  }
0x1c: {  	p1 =	slt.u32 s9, $0xF7A;
	s5 =	simm.s32 @!p2 $0x0  }
0x1d: {  	s5 =	simm.s32 @p1 $0x1;
	p0 =	seq.s32 s7, s2  }
0x1e: {  	s7 =	smul.u32 @!p0 $0xF7A, s2;
	p2 =	seq.s32 @!p0 s5, $0x0  }
0x1f: {  	s9 =	smul.u32 $0xF7A, s1;
	s8 =	simm.s32 @!p0 $0x1BF5;
	p2 =	por !p2, p0  }
0x20: {  	[sflag:s8] =	ssyncset.s32 @!p0 $0xFFFFF086;
	s6 =	sadd.s32 @!p0 s3, s7;
	s7 =	simm.s32 @!p0 $0x108  }
0x21: {  	s3 =	sadd.s32 s3, s9;
	s6 =	sadd.s32 @!p0 $0x88, s6;
	s7 =	simm.s32 @p2 $0x1082  }
0x22: {  	[simem:s7], [sflag:s8] =	dma.local @!p0 [hbm:s6], $0xF7A  }
0x23: {  	s9 =	sor.u32 $0xD0000000, s2;
	s6 =	simm.s32 $0x108;
	_ =	swait.ge @!p0 [sflag:s8], $0x0  }
0x24: {  	s3 =	sadd.s32 $0x88, s3;
	s6 =	simm.s32 @!p1 $0x1082;
	[sflag:s4] =	ssyncset.s32 $0xFFFFF086  }
0x25: {  	[simem:s6], [sflag:s4] =	dma.local [hbm:s3], $0xF7A  }
0x26: {  	[smem:$0x3F9B] =	sst s1;
	(tag) =	ssettag s2;
	_ =	strace s9  }
0x27: {  	s1 =	sld [smem:$0x3FAB]  }
0x28: {  	s2 =	sld [smem:$0x3FAC]  }
0x29: {  	s4 =	sld [smem:$0x3FAE]  }
0x2a: {  	p0 =	seq.s32 s5, $0x0;
	s5 =	sld [smem:$0x3FAF]  }
0x2b: {  	s6 =	sld [smem:$0x3FB0]  }
0x2c: {  	s7 =	sld [smem:$0x3FB1]  }
0x2d: {  	s3 =	simm.s32 $0x108;
	s8 =	sld [smem:$0x3FB2]  }
0x2e: {  	s3 =	simm.s32 @!p0 $0x1082;
	s9 =	sld [smem:$0x3FB3]  }
0x2f: {  	lr =	sadd.s32 s0, s3;
	s0 =	sld [smem:$0x3FAA]  }
0x30: {  	s3 =	sld [smem:$0x3FAD]  }
0x31: {  	[smem:$0x3FB6] =	sst s10  }
0x32: {  	s10 =	sld [smem:$0x3FB4];
	_ =	sdelay $0x3  }
0x33: {  	p0 =	seq.s32 s10, $0x1;
	s10 =	sld [smem:$0x3FB6];
	_ =	sdelay $0x3  }
0x34: {  	[smem:$0x3FB6] =	sst s10  }
0x35: {  	s10 =	sld [smem:$0x3FB5];
	_ =	sdelay $0x3  }
0x36: {  	p1 =	seq.s32 s10, $0x1;
	s10 =	sld [smem:$0x3FB6];
	_ =	sdelay $0x3  }
0x37: {  	[smem:$0x3FB6] =	sst s10  }
0x38: {  	s10 =	sld [smem:$0x3FB7]  }
0x39: {  	_ = 	snop;
	(pc) =	sbr.ind lr, $3  }
0x3a: {  	_ = 	snop  }
0x3b: {  	_ = 	snop  }
0x3c: {  	p2 =	seq.s32 s10, $0x1;
	s10 =	sld [smem:$0x3FB6]  }
0x3d: {  	_ =	shalt  }
0x3e: {  	_ =	shalt  }
0x3f: {  	_ =	shalt  }
0x40: {  	_ =	shalt  }
0x41: {  	_ =	shalt  }
0x42: {  	_ =	shalt  }
0x43: {  	_ =	shalt  }
0x44: {  	_ =	shalt  }
0x45: {  	_ =	shalt  }
0x46: {  	_ =	shalt  }
0x47: {  	_ =	shalt  }
0x48: {  	_ =	shalt  }
0x49: {  	_ =	shalt  }
0x4a: {  	_ =	shalt  }
0x4b: {  	_ =	shalt  }
0x4c: {  	_ =	shalt  }
0x4d: {  	_ =	shalt  }
0x4e: {  	_ =	shalt  }
0x4f: {  	_ =	shalt  }
0x50: {  	_ =	shalt  }
0x51: {  	_ =	shalt  }
0x52: {  	_ =	shalt  }
0x53: {  	_ =	shalt  }
0x54: {  	_ =	shalt  }
0x55: {  	_ =	shalt  }
0x56: {  	_ =	shalt  }
0x57: {  	_ =	shalt  }
0x58: {  	_ =	shalt  }
0x59: {  	_ =	shalt  }
0x5a: {  	_ =	shalt  }
0x5b: {  	_ =	shalt  }
0x5c: {  	_ =	shalt  }
0x5d: {  	_ =	shalt  }
0x5e: {  	_ =	shalt  }
0x5f: {  	_ =	shalt  }
0x60: {  	_ =	shalt  }
0x61: {  	_ =	shalt  }
0x62: {  	_ =	shalt  }
0x63: {  	_ =	shalt  }
0x64: {  	_ =	shalt  }
0x65: {  	_ =	shalt  }
0x66: {  	_ =	shalt  }
0x67: {  	_ =	shalt  }
0x68: {  	_ =	shalt  }
0x69: {  	_ =	shalt  }
0x6a: {  	_ =	shalt  }
0x6b: {  	_ =	shalt  }
0x6c: {  	_ =	shalt  }
0x6d: {  	_ =	shalt  }
0x6e: {  	_ =	shalt  }
0x6f: {  	_ =	shalt  }
0x70: {  	_ =	shalt  }
0x71: {  	_ =	shalt  }
0x72: {  	_ =	shalt  }
0x73: {  	_ =	shalt  }
0x74: {  	_ =	shalt  }
0x75: {  	_ =	shalt  }
0x76: {  	_ =	shalt  }
0x77: {  	_ =	shalt  }
0x78: {  	_ =	shalt  }
0x79: {  	_ =	shalt  }
0x7a: {  	_ =	shalt  }
0x7b: {  	_ =	shalt  }
0x7c: {  	_ =	shalt  }
0x7d: {  	_ =	shalt  }
0x7e: {  	_ =	shalt  }
0x7f: {  	_ =	shalt  }
0x80: {  	_ =	shalt  }
0x81: {  	_ =	shalt  }
0x82: {  	_ =	shalt  }
0x83: {  	_ =	shalt  }
0x84: {  	_ =	shalt  }
0x85: {  	_ =	shalt  }
0x86: {  	_ =	shalt  }
0x87: {  	_ =	shalt  }
.Lfunc_end0:
.L_simem_size_0:
called_computation_lowered:
.L_overlay_start_0:
0x88: {  	s2 =	sld [smem:$0x3FD9]  }
0x89: {  	s3 =	sld [smem:$0x3FFE];
	_ =	sdelay $0x1  }
0x8a: {  	s1 =	srdreg.scid  }
0x8b: {  	s0 =	sand.u32 $0x1, s1  }
0x8c: {  	s17 =	sshll.u32 s0, $0xA;
	s2 =	sadd.s32 s3, s2  }
0x8d: {  	s2 =	sadd.s32 s2, s17  }
0x8e: {  	[smem:$0x3FC2] =	sst s2  }
0x8f: {  	_ = 	snop  }
0x90: {  	s2 =	sld [smem:$0x3FD0];
	(tm) =	ssettm $0x1  }
0x91: {  	s18 =	sld [smem:$0x3FFB];
	_ =	sdelay $0x3  }
0x92: {  	_ =	strace s18  }
0x93: {  	s3 =	sld [smem:$0x3FFC];
	_ =	sdelay $0x3  }
0x94: {  	_ =	strace s3  }
0x95: {  	s3 =	sld [smem:$0x3FFD];
	_ =	sdelay $0x3  }
0x96: {  	_ =	strace s3  }
0x97: {  	_ =	strace $0x8FFFFFFF  }
0x98: {  	s19 =	sld [smem:$0x3FDB];
	_ =	sdelay $0x1  }
0x99: {  	s4 =	simm.s32 $_scs_section_size  }
0x9a: {  	s5 =	simm.s32 $_size__tile_overlayer_lowered;
	s6 =	simm.s32 $_tile_overlayer_lowered  }
0x9b: {  	s22 =	simm.s32 $0x1BFF;
	s21 =	sshll.u32 s6, $0x1;
	s3 =	sadd.s32 s4, s19  }
0x9c: {  	s7 =	simm.s32 $0x0;
	s20 =	sshll.u32 s5, $0x1;
	s5 =	sadd.s32 s21, s3  }
0x9d: {  	[timem:s7], [sflag:s22] =	dma.local [hbm:s5], s20  }
0x9e: {  	_ =	swait.ge [sflag:s22], s20  }
0x9f: {  	s4 =	ssub.s32 $0x0, s20;
	[sflag:s22] =	ssyncset.done $0x0  }
0xa0: {  	[sflag:s22] =	ssyncadd.s32 s4;
	_ =	sdelay $0x1  }
0xa1: {  	s23 =	simm.s32 $0x1B8B  }
0xa2: {  	_ =	swait.ge [sflag:s23], $0x1  }
0xa3: {  	[sflag:s23] =	ssyncset.done $0x0  }
0xa4: {  	s25 =	simm.s32 $0x1B8E;
	s24 =	sld [smem:$0x3FFE];
	[sflag:s23] =	ssyncadd.s32 $0xFFFFFFFF  }
0xa5: {  	s26 =	simm.s32 $execute0_lowered;
	[smem:$0x3FD2] =	sst s25  }
0xa6: {  	s5 =	sshll.u32 s26, $0x1;
	_ =	strace $0x80000046;
	[dreg:$0x1] =	wrdreg $0xFFFFFFFF  }
0xa7: {  	s28 =	simm.s32 $_size_execute0_lowered;
	s3 =	sadd.s32 s3, s5;
	[dreg:$0x0] =	wrdreg $0x0  }
0xa8: {  	s5 =	sshll.u32 s28, $0x1;
	[dreg:$0x2] =	wrdreg s3  }
0xa9: {  	[dreg:$0x3] =	wrdreg s5  }
0xaa: {  	[dreg:$0x4] =	wrdreg $0xC0  }
0xab: {  	_ =	task [dreg:s7], $0x5FFFF  }
0xac: {  	[dreg:$0x1] =	wrdreg $0xFFFFFFFF  }
0xad: {  	[dreg:$0x0] =	wrdreg $0x60  }
0xae: {  	[dreg:$0x2] =	wrdreg s2  }
0xaf: {  	[dreg:$0x3] =	wrdreg s24  }
0xb0: {  	[dreg:$0x4] =	wrdreg $0x9  }
0xb1: {  	_ =	task.clear_ibuf [dreg:s7], $0x5FFFF;
	_ =	strace $0x90000046  }
0xb2: {  	s29 =	simm.s32 $0x9;
	_ =	strace $0x80000048  }
0xb3: {  	_ =	swait.ge [sflag:s29], $0x1  }
0xb4: {  	[sflag:s29] =	ssyncadd.s32 $0xFFFFFFFF  }
0xb5: {  	_ =	strace $0x90000048  }
0xb6: {  	_ =	sfence  }
0xb7: {  	s30 =	sld [smem:$0x0];
	_ =	sdelay $0x2  }
0xb8: {  	s31 =	sshll.u32 s1, $0xD;
	s1 =	sshrl.u32 s1, $0x2  }
0xb9: {  	s3 =	sand.u32 $0x4000, s31;
	s1 =	sadd.s32 s1, s30  }
0xba: {  	s0 =	sor.u32 s3, s0;
	s1 =	sshll.u32 s1, $0x11  }
0xbb: {  	s0 =	sor.u32 s1, s0  }
0xbc: {  	s0 =	sadd.s32 $0x8F2B, s0  }
0xbd: {  	[sflag:s0] =	ssyncadd.remote.s32 $0x1  }
0xbe: {  	_ =	sfence.sel $0xFFFF  }
0xbf: {  	[dreg:$0x0] =	wrdreg $0xFFFFFFFF;
	(pc) =	sbr.abs _section_cstart, $3  }
0xc0: {  	[dreg:$0x1] =	wrdreg $0xFFFFFFFF  }
0xc1: {  	_ =	task.clear_ibuf [dreg:s7], $0x2FFFF;
	_ =	strace $0x9FFFFFFF  }
0xc2: {  	(tm) =	ssettm $0x7FFFFFFF  }
0xc3: {  	_ =	shalt  }
tec
execute0_lowered:
.L_overlay_start_1:
0x0: {  	(tag) =	ssettag $0x1  }
0x1: {  	s3 =	rddreg [dreg:$0x0]  }
0x2: {  	s4 =	rddreg [dreg:$0x1];
	s2 =	srdreg.scid  }
0x3: {  	s0 =	rddreg [dreg:$0x2];
	s1 =	stileid.u32;
	s5 =	sand.u32 $0x1, s2  }
0x4: {  	s2 =	simm.s32 $0x0;
	s6 =	sshll.u32 s1, $0x8;
	s7 =	sshll.u32 s5, $0x7  }
0x5: {  	[smem:$0x7FF] =	sst s2;
	s5 =	ssub.s32 $0x2, s5;
	s6 =	sor.u32 s7, s6  }
0x6: {  	_ =	strace $0x80000047;
	s31 =	sshrl.u32 s5, $0x1;
	s7 =	simm.s32 $0x400  }
0x7: {  	s4 =	sadd.s32 s6, s4;
	s5 =	ssub.s32 s5, s31;
	s3 =	sadd.s32 s3, s6  }
0x8: {  	s6 =	simm.s32 $0x1;
	s4 =	sadd.s32 $0x1400, s4;
	s5 =	smax.u32 s5, $0x1  }
.LBB2_1:
0x9: {  	[tilespmem:s2], [sflag:$0x1] =	stream.linear.gather [hbm4b:s3+s2], $0x400, $0x38;
	[tilespmem:$0x800] =	vst v63  }
0xa: {  	_ =	swait.ge [sflag:s6], $0x400  }
0xb: {  	[sflag:s6] =	ssyncset.done $0x0  }
0xc: {  	[sflag:s6] =	ssyncadd.s32 $0xFFFFFC00  }
0xd: {  	v0 =	vld [tilespmem:$0x0]  }
0xe: {  	v1 =	vld [tilespmem:$0x80]  }
0xf: {  	v2 =	vld [tilespmem:$0x100]  }
0x10: {  	v3 =	vld [tilespmem:$0x180]  }
0x11: {  	v4 =	vld [tilespmem:$0x200]  }
0x12: {  	v5 =	vld [tilespmem:$0x280]  }
0x13: {  	v6 =	vld [tilespmem:$0x300];
	v7 =	vmax.f32 v0, v1  }
0x14: {  	v8 =	vld [tilespmem:$0x380];
	v7 =	vmax.f32 v7, v2  }
0x15: {  	v7 =	vmax.f32 v7, v3  }
0x16: {  	v7 =	vmax.f32 v7, v4  }
0x17: {  	v7 =	vmax.f32 v7, v5  }
0x18: {  	v7 =	vmax.f32 v7, v6  }
0x19: {  	v7 =	vmax.f32 v7, v8  }
0x1a: {  	vm0 =	vlt.f32 v1, v7  }
0x1b: {  	v9 =	vnsel vm0, $0xFF800000, v1  }
0x1c: {  	vm8 =	vlt.f32 v0, v7;
	v10 =	vmax.f32 v0, v9  }
0x1d: {  	v9 =	vsel vm8, v10, v9  }
0x1e: {  	vm9 =	vlt.f32 v2, v7;
	v10 =	vmax.f32 v9, v2  }
0x1f: {  	v9 =	vsel vm9, v10, v9  }
0x20: {  	vm10 =	vlt.f32 v3, v7;
	v11 =	vsub.f32 v0, v7;
	v10 =	vmax.f32 v9, v3  }
0x21: {  	v48 =	vsub.f32 v1, v7;
	v9 =	vsel vm10, v10, v9  }
0x22: {  	vm11 =	vlt.f32 v4, v7;
	v11 =	vmul.f32 $1.442695020e+00, v11;
	v10 =	vmax.f32 v9, v4  }
0x23: {  	v49 =	vsub.f32 v2, v7;
	v9 =	vsel vm11, v10, v9;
	v10 =	vmul.f32 $1.442695020e+00, v48  }
0x24: {  	(erf) = vpow2.f32 v11  }
0x25: {  	v51 =	vsub.f32 v3, v7;
	v50 =	vmul.f32 $1.442695020e+00, v49;
	(erf) = vpow2.f32 v10;
	_ =	sdelay $0x1  }
0x26: {  	v53 =	vsub.f32 v4, v7;
	v52 =	vmul.f32 $1.442695020e+00, v51;
	(erf) = vpow2.f32 v50  }
0x27: {  	vm12 =	vlt.f32 v5, v7;
	v56 =	vsub.f32 v5, v7;
	v12 =	vmax.f32 v9, v5  }
0x28: {  	v55 =	vmul.f32 $1.442695020e+00, v53;
	v9 =	vsel vm12, v12, v9;
	(erf) = vpow2.f32 v52  }
0x29: {  	v57 =	vld [tilespmem:$0x10];
	vm13 =	vlt.f32 v6, v7;
	v59 =	vsub.f32 v6, v7;
	v13 =	vmax.f32 v9, v6  }
0x2a: {  	v60 =	vld [tilespmem:$0x90];
	v58 =	vmul.f32 $1.442695020e+00, v56;
	v9 =	vsel vm13, v13, v9;
	(erf) = vpow2.f32 v55  }
0x2b: {  	v15 =	vld [tilespmem:$0x110];
	vm14 =	vlt.f32 v8, v7;
	v7 =	vsub.f32 v8, v7;
	v54 =	vmax.f32 v9, v8  }
0x2c: {  	v63 =	vld [tilespmem:$0x190];
	v62 =	vmul.f32 $1.442695020e+00, v59;
	v61 =	vpop (erf);
	v9 =	vsel vm14, v54, v9;
	(erf) = vpow2.f32 v58  }
0x2d: {  	v16 =	vld [tilespmem:$0x210];
	v25 =	vmul.f32 $1.442695020e+00, v7;
	vm0 =	vge.f32 v0, v9;
	vm15 =	vge.f32 v1, v9;
	v23 =	vpop (erf)  }
0x2e: {  	v7 =	vld [tilespmem:$0x290];
	(erf) = vpow2.f32 v62;
	v24 =	vnsel vm0, $0x0, v61;
	v23 =	vnsel vm15, $0x0, v23  }
0x2f: {  	v17 =	vld [tilespmem:$0x310];
	v28 =	vmax.f32 v57, v60;
	vm4 =	vge.f32 v2, v9;
	v26 =	vpop (erf);
	v27 =	vadd.f32 v23, v24  }
0x30: {  	v18 =	vld [tilespmem:$0x390];
	v29 =	vmax.f32 v28, v15;
	(erf) = vpow2.f32 v25;
	v21 =	vnsel vm4, $0x0, v26  }
0x31: {  	vm5 =	vge.f32 v3, v9;
	v0 =	vmax.f32 v29, v63;
	v30 =	vpop (erf);
	v2 =	vadd.f32 v27, v21  }
0x32: {  	v0 =	vmax.f32 v0, v16;
	v14 =	vnsel vm5, $0x0, v30  }
0x33: {  	vm6 =	vge.f32 v4, v9;
	v0 =	vmax.f32 v0, v7;
	v31 =	vpop (erf);
	v2 =	vadd.f32 v2, v14  }
0x34: {  	vm7 =	vge.f32 v5, v9;
	v0 =	vmax.f32 v0, v17;
	v3 =	vnsel vm6, $0x0, v31  }
0x35: {  	vm1 =	vge.f32 v6, v9;
	v34 =	vmax.f32 v0, v18;
	v32 =	vpop (erf);
	v33 =	vadd.f32 v2, v3  }
0x36: {  	vm10 =	vge.f32 v8, v9;
	vm8 =	vlt.f32 v60, v34;
	v2 =	vnsel vm7, $0x0, v32  }
0x37: {  	vm9 =	vlt.f32 v57, v34;
	v36 =	vnsel vm8, $0xFF800000, v60;
	v35 =	vpop (erf);
	v1 =	vadd.f32 v33, v2  }
0x38: {  	v19 =	vld [tilespmem:$0x20];
	vm11 =	vlt.f32 v15, v34;
	v37 =	vmax.f32 v57, v36;
	v0 =	vnsel vm1, $0x0, v35  }
0x39: {  	v20 =	vld [tilespmem:$0xA0];
	vm12 =	vlt.f32 v63, v34;
	v4 =	vsel vm9, v37, v36;
	v38 =	vpop (erf);
	v39 =	vadd.f32 v1, v0  }
0x3a: {  	v41 =	vsub.f32 v57, v34;
	v6 =	vmax.f32 v4, v15;
	v40 =	vnsel vm10, $0x0, v38  }
0x3b: {  	v42 =	vsub.f32 v60, v34;
	v4 =	vsel vm11, v6, v4;
	v8 =	vadd.f32 v39, v40  }
0x3c: {  	v44 =	vsub.f32 v15, v34;
	v9 =	vmul.f32 $1.442695020e+00, v41;
	v6 =	vmax.f32 v4, v63  }
0x3d: {  	v4 =	vsel vm12, v6, v4;
	v6 =	vmul.f32 $1.442695020e+00, v42;
	(erf) = vrcp.f32 v8  }
0x3e: {  	v56 =	vmax.f32 v19, v20;
	vm13 =	vlt.f32 v16, v34;
	(erf) = vpow2.f32 v9  }
0x3f: {  	v47 =	vsub.f32 v63, v34;
	v46 =	vmul.f32 $1.442695020e+00, v44;
	(erf) = vpow2.f32 v6  }
0x40: {  	vm14 =	vlt.f32 v7, v34;
	v49 =	vsub.f32 v16, v34;
	v43 =	vmax.f32 v4, v16  }
0x41: {  	v48 =	vmul.f32 $1.442695020e+00, v47;
	v4 =	vsel vm13, v43, v4;
	(erf) = vpow2.f32 v46  }
0x42: {  	vm15 =	vlt.f32 v17, v34;
	v51 =	vsub.f32 v7, v34;
	v8 =	vmax.f32 v4, v7  }
0x43: {  	v22 =	vld [tilespmem:$0x120];
	v4 =	vsel vm14, v8, v4;
	v8 =	vmul.f32 $1.442695020e+00, v49;
	(erf) = vpow2.f32 v48  }
0x44: {  	v53 =	vsub.f32 v17, v34;
	v5 =	vsub.f32 v18, v34;
	v45 =	vmax.f32 v4, v17  }
0x45: {  	v26 =	vld [tilespmem:$0x1A0];
	v52 =	vmul.f32 $1.442695020e+00, v51;
	v4 =	vsel vm15, v45, v4;
	(erf) = vpow2.f32 v8  }
0x46: {  	vm4 =	vlt.f32 v18, v34;
	v5 =	vmul.f32 $1.442695020e+00, v5;
	v27 =	vld [tilespmem:$0x220];
	v50 =	vmax.f32 v4, v18;
	v6 =	vpop (erf)  }
0x47: {  	v28 =	vld [tilespmem:$0x2A0];
	v9 =	vmul.f32 $1.442695020e+00, v53;
	v4 =	vsel vm4, v50, v4;
	(erf) = vpow2.f32 v52;
	v54 =	vpop (erf)  }
0x48: {  	v29 =	vld [tilespmem:$0x320];
	vm0 =	vge.f32 v57, v4;
	vm5 =	vge.f32 v60, v4;
	v57 =	vmax.f32 v56, v22;
	v55 =	vpop (erf)  }
0x49: {  	v30 =	vld [tilespmem:$0x3A0];
	v10 =	vnsel vm0, $0x0, v54;
	(erf) = vpow2.f32 v9;
	v8 =	vnsel vm5, $0x0, v55  }
0x4a: {  	vm6 =	vge.f32 v15, v4;
	v60 =	vmax.f32 v57, v26;
	v58 =	vpop (erf);
	v59 =	vadd.f32 v8, v10  }
0x4b: {  	v61 =	vmax.f32 v60, v27;
	(erf) = vpow2.f32 v5;
	v9 =	vnsel vm6, $0x0, v58  }
0x4c: {  	vm7 =	vge.f32 v63, v4;
	v5 =	vmax.f32 v61, v28;
	v62 =	vpop (erf);
	v12 =	vadd.f32 v59, v9  }
0x4d: {  	vm8 =	vge.f32 v16, v4;
	v5 =	vmax.f32 v5, v29;
	v11 =	vnsel vm7, $0x0, v62  }
0x4e: {  	vm10 =	vge.f32 v7, v4;
	v63 =	vpop (erf);
	v5 =	vmax.f32 v5, v30;
	v1 =	vadd.f32 v12, v11  }
0x4f: {  	vm12 =	vge.f32 v17, v4;
	vm9 =	vlt.f32 v20, v5;
	v12 =	vnsel vm8, $0x0, v63  }
0x50: {  	vm14 =	vge.f32 v18, v4;
	v31 =	vnsel vm9, $0xFF800000, v20;
	v25 =	vpop (erf);
	v13 =	vadd.f32 v1, v12  }
0x51: {  	vm11 =	vlt.f32 v19, v5;
	v32 =	vmax.f32 v19, v31;
	v15 =	vnsel vm10, $0x0, v25  }
0x52: {  	vm13 =	vlt.f32 v22, v5;
	v7 =	vsel vm11, v32, v31;
	v33 =	vpop (erf);
	v13 =	vadd.f32 v13, v15  }
0x53: {  	vm15 =	vlt.f32 v26, v5;
	v16 =	vmax.f32 v7, v22;
	v17 =	vnsel vm12, $0x0, v33  }
0x54: {  	vm4 =	vlt.f32 v27, v5;
	v7 =	vsel vm13, v16, v7;
	v34 =	vpop (erf);
	v13 =	vadd.f32 v13, v17  }
0x55: {  	v36 =	vsub.f32 v19, v5;
	v35 =	vmax.f32 v7, v26;
	v18 =	vnsel vm14, $0x0, v34  }
0x56: {  	v37 =	vsub.f32 v20, v5;
	v4 =	vsel vm15, v35, v7;
	v13 =	vadd.f32 v13, v18  }
0x57: {  	v39 =	vsub.f32 v22, v5;
	v16 =	vmul.f32 $1.442695020e+00, v36;
	v7 =	vmax.f32 v4, v27  }
0x58: {  	v4 =	vsel vm4, v7, v4;
	v7 =	vmul.f32 $1.442695020e+00, v37;
	(erf) = vrcp.f32 v13  }
0x59: {  	(erf) = vpow2.f32 v16  }
0x5a: {  	[tilespmem:$0x1FF80] =	vst v40;
	v41 =	vsub.f32 v26, v5;
	v40 =	vmul.f32 $1.442695020e+00, v39;
	(erf) = vpow2.f32 v7  }
0x5b: {  	vm5 =	vlt.f32 v28, v5;
	v43 =	vsub.f32 v27, v5;
	v32 =	vld [tilespmem:$0x30]  }
0x5c: {  	v42 =	vmul.f32 $1.442695020e+00, v41;
	v33 =	vld [tilespmem:$0xB0];
	v38 =	vmax.f32 v4, v28;
	(erf) = vpow2.f32 v40  }
0x5d: {  	vm6 =	vlt.f32 v29, v5;
	v46 =	vsub.f32 v28, v5;
	v4 =	vsel vm5, v38, v4  }
0x5e: {  	v45 =	vmul.f32 $1.442695020e+00, v43;
	v35 =	vld [tilespmem:$0x130];
	v25 =	vmax.f32 v4, v29;
	(erf) = vpow2.f32 v42  }
0x5f: {  	vm7 =	vlt.f32 v30, v5;
	v48 =	vsub.f32 v29, v5;
	v50 =	vsub.f32 v30, v5  }
0x60: {  	v47 =	vmul.f32 $1.442695020e+00, v46;
	v36 =	vld [tilespmem:$0x1B0];
	v4 =	vsel vm6, v25, v4;
	(erf) = vpow2.f32 v45  }
0x61: {  	v54 =	vmul.f32 $1.442695020e+00, v50;
	v37 =	vld [tilespmem:$0x230];
	v57 =	vmax.f32 v32, v33;
	v44 =	vmax.f32 v4, v30;
	v25 =	vpop (erf)  }
0x62: {  	v7 =	vmul.f32 $1.442695020e+00, v48;
	v31 =	vsel vm7, v44, v4;
	(erf) = vpow2.f32 v47;
	v49 =	vpop (erf)  }
0x63: {  	v38 =	vld [tilespmem:$0x2B0];
	v59 =	vmax.f32 v57, v35;
	vm0 =	vge.f32 v19, v31;
	vm8 =	vge.f32 v20, v31;
	v52 =	vpop (erf)  }
0x64: {  	(erf) = vpow2.f32 v7;
	v51 =	vnsel vm0, $0x0, v49;
	v53 =	vnsel vm8, $0x0, v52  }
0x65: {  	v39 =	vld [tilespmem:$0x330];
	v61 =	vmax.f32 v59, v36;
	vm9 =	vge.f32 v22, v31;
	v55 =	vpop (erf);
	v56 =	vadd.f32 v53, v51  }
0x66: {  	v63 =	vmax.f32 v61, v37;
	v40 =	vld [tilespmem:$0x3B0];
	(erf) = vpow2.f32 v54;
	v58 =	vnsel vm9, $0x0, v55  }
0x67: {  	vm10 =	vge.f32 v26, v31;
	vm11 =	vge.f32 v27, v31;
	v60 =	vpop (erf);
	v16 =	vadd.f32 v56, v58  }
0x68: {  	v19 =	vmax.f32 v63, v38;
	vm12 =	vge.f32 v28, v31;
	v62 =	vnsel vm10, $0x0, v60  }
0x69: {  	vm14 =	vge.f32 v29, v31;
	vm4 =	vge.f32 v30, v31;
	v4 =	vpop (erf);
	v5 =	vadd.f32 v16, v62  }
0x6a: {  	v19 =	vmax.f32 v19, v39;
	v9 =	vmul.f32 v25, v9;
	v7 =	vnsel vm11, $0x0, v4  }
0x6b: {  	v11 =	vmul.f32 v25, v11;
	v16 =	vmax.f32 v19, v40;
	v13 =	vpop (erf);
	v22 =	vadd.f32 v5, v7  }
0x6c: {  	v15 =	vmul.f32 v25, v15;
	vm13 =	vlt.f32 v33, v16;
	v34 =	vnsel vm12, $0x0, v13  }
0x6d: {  	vm15 =	vlt.f32 v32, v16;
	v41 =	vpop (erf);
	v42 =	vnsel vm13, $0xFF800000, v33;
	v22 =	vadd.f32 v22, v34  }
0x6e: {  	vm5 =	vlt.f32 v35, v16;
	v43 =	vnsel vm14, $0x0, v41;
	v44 =	vmax.f32 v32, v42  }
0x6f: {  	vm6 =	vlt.f32 v36, v16;
	v45 =	vpop (erf);
	v27 =	vsel vm15, v44, v42;
	v46 =	vadd.f32 v22, v43  }
0x70: {  	v47 =	vsub.f32 v32, v16;
	v28 =	vmax.f32 v27, v35;
	v22 =	vnsel vm4, $0x0, v45  }
0x71: {  	v48 =	vsub.f32 v33, v16;
	v27 =	vsel vm5, v28, v27;
	v29 =	vadd.f32 v46, v22  }
0x72: {  	v50 =	vsub.f32 v35, v16;
	v30 =	vmul.f32 $1.442695020e+00, v47;
	v28 =	vmax.f32 v27, v36  }
0x73: {  	v27 =	vsel vm6, v28, v27;
	v28 =	vmul.f32 $1.442695020e+00, v48;
	(erf) = vrcp.f32 v29  }
0x74: {  	vm7 =	vlt.f32 v37, v16;
	vm8 =	vlt.f32 v38, v16;
	(erf) = vpow2.f32 v30  }
0x75: {  	[tilespmem:$0x1FFA0] =	vst v53;
	v53 =	vsub.f32 v36, v16;
	v52 =	vmul.f32 $1.442695020e+00, v50;
	(erf) = vpow2.f32 v28  }
0x76: {  	vm9 =	vlt.f32 v39, v16;
	v55 =	vsub.f32 v37, v16;
	v49 =	vmax.f32 v27, v37  }
0x77: {  	v54 =	vmul.f32 $1.442695020e+00, v53;
	v41 =	vld [tilespmem:$0x40];
	v27 =	vsel vm7, v49, v27;
	(erf) = vpow2.f32 v52  }
0x78: {  	[tilespmem:$0x1FFB0] =	vst v58;
	vm10 =	vlt.f32 v40, v16;
	v58 =	vsub.f32 v38, v16;
	v42 =	vld [tilespmem:$0xC0];
	v29 =	vmax.f32 v27, v38  }
0x79: {  	v57 =	vmul.f32 $1.442695020e+00, v55;
	[tilespmem:$0x1FFF0] =	vst v43;
	v43 =	vld [tilespmem:$0x140];
	v27 =	vsel vm8, v29, v27;
	(erf) = vpow2.f32 v54  }
0x7a: {  	[tilespmem:$0x1FF90] =	vst v51;
	v60 =	vsub.f32 v39, v16;
	v26 =	vsub.f32 v40, v16;
	v51 =	vmax.f32 v27, v39  }
0x7b: {  	v59 =	vmul.f32 $1.442695020e+00, v58;
	v44 =	vld [tilespmem:$0x1C0];
	v27 =	vsel vm9, v51, v27;
	(erf) = vpow2.f32 v57  }
0x7c: {  	v63 =	vmul.f32 $1.442695020e+00, v60;
	v26 =	vmul.f32 $1.442695020e+00, v26;
	v45 =	vld [tilespmem:$0x240];
	v56 =	vmax.f32 v27, v40;
	v29 =	vpop (erf)  }
0x7d: {  	v46 =	vld [tilespmem:$0x2C0];
	v1 =	vmax.f32 v41, v42;
	v27 =	vsel vm10, v56, v27;
	(erf) = vpow2.f32 v59;
	v61 =	vpop (erf)  }
0x7e: {  	[tilespmem:$0x1FFC0] =	vst v62;
	v47 =	vld [tilespmem:$0x340];
	v4 =	vmax.f32 v1, v43;
	vm0 =	vge.f32 v32, v27;
	vm11 =	vge.f32 v33, v27;
	v62 =	vpop (erf)  }
0x7f: {  	[tilespmem:$0x1FFE0] =	vst v34;
	v48 =	vld [tilespmem:$0x3C0];
	v33 =	vnsel vm0, $0x0, v61;
	(erf) = vpow2.f32 v63;
	v34 =	vnsel vm11, $0x0, v62  }
0x80: {  	v28 =	vmax.f32 v4, v44;
	vm12 =	vge.f32 v35, v27;
	v5 =	vpop (erf);
	v31 =	vadd.f32 v34, v33  }
0x81: {  	[tilespmem:$0x1FFD0] =	vst v7;
	v7 =	vmax.f32 v28, v45;
	(erf) = vpow2.f32 v26;
	v32 =	vnsel vm12, $0x0, v5  }
0x82: {  	vm13 =	vge.f32 v36, v27;
	v26 =	vmax.f32 v7, v46;
	v13 =	vpop (erf);
	v30 =	vadd.f32 v31, v32  }
0x83: {  	vm14 =	vge.f32 v37, v27;
	v26 =	vmax.f32 v26, v47;
	v28 =	vnsel vm13, $0x0, v13  }
0x84: {  	vm4 =	vge.f32 v38, v27;
	v16 =	vpop (erf);
	v20 =	vmax.f32 v26, v48;
	v19 =	vadd.f32 v30, v28  }
0x85: {  	vm6 =	vge.f32 v39, v27;
	vm15 =	vlt.f32 v42, v20;
	v30 =	vnsel vm14, $0x0, v16  }
0x86: {  	vm8 =	vge.f32 v40, v27;
	v51 =	vnsel vm15, $0xFF800000, v42;
	v50 =	vpop (erf);
	v35 =	vadd.f32 v19, v30  }
0x87: {  	vm5 =	vlt.f32 v41, v20;
	v52 =	vmax.f32 v41, v51;
	v31 =	vnsel vm4, $0x0, v50  }
0x88: {  	vm7 =	vlt.f32 v43, v20;
	v37 =	vsel vm5, v52, v51;
	v53 =	vpop (erf);
	v35 =	vadd.f32 v35, v31  }
0x89: {  	vm9 =	vlt.f32 v44, v20;
	v54 =	vmax.f32 v37, v43;
	v26 =	vnsel vm6, $0x0, v53  }
0x8a: {  	vm10 =	vlt.f32 v45, v20;
	v37 =	vsel vm7, v54, v37;
	v55 =	vpop (erf);
	v35 =	vadd.f32 v35, v26  }
0x8b: {  	v56 =	vsub.f32 v41, v20;
	v38 =	vmax.f32 v37, v44;
	v27 =	vnsel vm8, $0x0, v55  }
0x8c: {  	v58 =	vsub.f32 v42, v20;
	v37 =	vsel vm9, v38, v37;
	v35 =	vadd.f32 v35, v27  }
0x8d: {  	v59 =	vsub.f32 v43, v20;
	v39 =	vmul.f32 $1.442695020e+00, v56;
	v38 =	vmax.f32 v37, v45  }
0x8e: {  	v57 =	vsel vm10, v38, v37;
	v37 =	vmul.f32 $1.442695020e+00, v58;
	(erf) = vrcp.f32 v35  }
0x8f: {  	v18 =	vmul.f32 v25, v18;
	vm11 =	vlt.f32 v46, v20;
	(erf) = vpow2.f32 v39  }
0x90: {  	v62 =	vsub.f32 v44, v20;
	v61 =	vmul.f32 $1.442695020e+00, v59;
	(erf) = vpow2.f32 v37  }
0x91: {  	vm12 =	vlt.f32 v47, v20;
	v1 =	vsub.f32 v45, v20;
	v51 =	vld [tilespmem:$0xD0];
	v38 =	vmax.f32 v57, v46  }
0x92: {  	v63 =	vmul.f32 $1.442695020e+00, v62;
	v50 =	vld [tilespmem:$0x50];
	v35 =	vsel vm11, v38, v57;
	(erf) = vpow2.f32 v61  }
0x93: {  	vm13 =	vlt.f32 v48, v20;
	v7 =	vsub.f32 v46, v20;
	v60 =	vmax.f32 v35, v47  }
0x94: {  	v5 =	vmul.f32 $1.442695020e+00, v1;
	v35 =	vsel vm12, v60, v35;
	(erf) = vpow2.f32 v63  }
0x95: {  	v16 =	vsub.f32 v47, v20;
	v20 =	vsub.f32 v48, v20;
	v4 =	vmax.f32 v35, v48  }
0x96: {  	v13 =	vmul.f32 $1.442695020e+00, v7;
	v49 =	vsel vm13, v4, v35;
	(erf) = vpow2.f32 v5  }
0x97: {  	v53 =	vmul.f32 $1.442695020e+00, v20;
	v1 =	vmax.f32 v50, v51;
	vm14 =	vge.f32 v42, v49;
	v42 =	vld [tilespmem:$0x150];
	v38 =	vpop (erf)  }
0x98: {  	v58 =	vld [tilespmem:$0x1D0];
	v37 =	vmul.f32 $1.442695020e+00, v16;
	vm0 =	vge.f32 v41, v49;
	(erf) = vpow2.f32 v13;
	v19 =	vpop (erf)  }
0x99: {  	vm15 =	vge.f32 v43, v49;
	v43 =	vld [tilespmem:$0x250];
	vm4 =	vge.f32 v44, v49;
	vm5 =	vge.f32 v45, v49;
	v52 =	vpop (erf)  }
0x9a: {  	v59 =	vld [tilespmem:$0x2D0];
	(erf) = vpow2.f32 v37;
	v36 =	vnsel vm0, $0x0, v19;
	v35 =	vnsel vm14, $0x0, v52  }
0x9b: {  	v60 =	vld [tilespmem:$0x350];
	vm6 =	vge.f32 v46, v49;
	v45 =	vmul.f32 v6, v24;
	v54 =	vpop (erf);
	v55 =	vadd.f32 v35, v36  }
0x9c: {  	v61 =	vld [tilespmem:$0x3D0];
	v41 =	vmax.f32 v1, v42;
	(erf) = vpow2.f32 v53;
	v37 =	vnsel vm15, $0x0, v54  }
0x9d: {  	vm7 =	vge.f32 v47, v49;
	v41 =	vmax.f32 v41, v58;
	v57 =	vpop (erf);
	v40 =	vadd.f32 v55, v37  }
0x9e: {  	v46 =	vmul.f32 v6, v23;
	v41 =	vmax.f32 v41, v43;
	v39 =	vnsel vm4, $0x0, v57  }
0x9f: {  	vm9 =	vge.f32 v48, v49;
	v41 =	vmax.f32 v41, v59;
	v4 =	vpop (erf);
	v5 =	vadd.f32 v40, v39  }
0xa0: {  	v47 =	vmul.f32 v6, v21;
	v41 =	vmax.f32 v41, v60;
	v40 =	vnsel vm5, $0x0, v4  }
0xa1: {  	v52 =	vmul.f32 v6, v14;
	v53 =	vmax.f32 v41, v61;
	v7 =	vpop (erf);
	v13 =	vadd.f32 v5, v40  }
0xa2: {  	vm8 =	vlt.f32 v51, v53;
	vm10 =	vlt.f32 v50, v53;
	v24 =	vnsel vm6, $0x0, v7  }
0xa3: {  	vm11 =	vlt.f32 v42, v53;
	v56 =	vnsel vm8, $0xFF800000, v51;
	v16 =	vpop (erf);
	v19 =	vadd.f32 v13, v24  }
0xa4: {  	v1 =	vsub.f32 v50, v53;
	v57 =	vmax.f32 v50, v56;
	v23 =	vnsel vm7, $0x0, v16  }
0xa5: {  	vm12 =	vlt.f32 v58, v53;
	v63 =	vsel vm10, v57, v56;
	v55 =	vpop (erf);
	v44 =	vadd.f32 v19, v23  }
0xa6: {  	vm13 =	vlt.f32 v43, v53;
	v48 =	vmax.f32 v63, v42;
	v41 =	vnsel vm9, $0x0, v55  }
0xa7: {  	vm14 =	vlt.f32 v59, v53;
	v4 =	vsel vm11, v48, v63;
	v62 =	vadd.f32 v44, v41  }
0xa8: {  	v49 =	vmul.f32 $1.442695020e+00, v1;
	v5 =	vsub.f32 v51, v53;
	v48 =	vmax.f32 v4, v58  }
0xa9: {  	v7 =	vsub.f32 v42, v53;
	v21 =	vsel vm12, v48, v4;
	(erf) = vrcp.f32 v62  }
0xaa: {  	v48 =	vmax.f32 v21, v43;
	v44 =	vmul.f32 $1.442695020e+00, v5;
	(erf) = vpow2.f32 v49  }
0xab: {  	vm15 =	vlt.f32 v60, v53;
	v16 =	vmul.f32 $1.442695020e+00, v7;
	v21 =	vsel vm13, v48, v21  }
0xac: {  	v19 =	vsub.f32 v58, v53;
	v13 =	vmax.f32 v21, v59;
	(erf) = vpow2.f32 v44  }
0xad: {  	v1 =	vsub.f32 v59, v53;
	v56 =	vsub.f32 v43, v53;
	v63 =	vld [tilespmem:$0xE0];
	v55 =	vsel vm14, v13, v21  }
0xae: {  	v57 =	vmul.f32 $1.442695020e+00, v19;
	v62 =	vld [tilespmem:$0x60];
	v4 =	vmax.f32 v55, v60;
	(erf) = vpow2.f32 v16  }
0xaf: {  	vm4 =	vlt.f32 v61, v53;
	v5 =	vmul.f32 $1.442695020e+00, v1;
	v49 =	vsel vm15, v4, v55  }
0xb0: {  	v1 =	vld [tilespmem:$0x160];
	v21 =	vmul.f32 $1.442695020e+00, v56;
	v7 =	vmax.f32 v49, v61;
	(erf) = vpow2.f32 v57  }
0xb1: {  	v56 =	vmul.f32 v6, v3;
	v44 =	vld [tilespmem:$0x1E0];
	v16 =	vsub.f32 v60, v53;
	v48 =	vsel vm4, v7, v49  }
0xb2: {  	(erf) = vpow2.f32 v21;
	vm0 =	vge.f32 v50, v48;
	vm5 =	vge.f32 v51, v48;
	v14 =	vpop (erf)  }
0xb3: {  	v57 =	vld [tilespmem:$0x260];
	v13 =	vmul.f32 $1.442695020e+00, v16;
	v16 =	vmax.f32 v62, v63;
	(erf) = vpow2.f32 v5;
	v55 =	vpop (erf)  }
0xb4: {  	vm6 =	vge.f32 v42, v48;
	vm7 =	vge.f32 v58, v48;
	v20 =	vnsel vm0, $0x0, v55;
	v55 =	vld [tilespmem:$0x2E0]  }
0xb5: {  	v54 =	vld [tilespmem:$0x360];
	vm8 =	vge.f32 v43, v48;
	v5 =	vsub.f32 v61, v53;
	v19 =	vmax.f32 v16, v1;
	v7 =	vpop (erf)  }
0xb6: {  	vm9 =	vge.f32 v59, v48;
	v53 =	vld [tilespmem:$0x3E0];
	v42 =	vmax.f32 v19, v44;
	v21 =	vnsel vm5, $0x0, v7  }
0xb7: {  	v49 =	vmul.f32 $1.442695020e+00, v5;
	(erf) = vpow2.f32 v13;
	v3 =	vpop (erf);
	v4 =	vadd.f32 v21, v20  }
0xb8: {  	vm11 =	vge.f32 v60, v48;
	v42 =	vmax.f32 v42, v57;
	v19 =	vnsel vm6, $0x0, v3  }
0xb9: {  	(erf) = vpow2.f32 v49;
	v5 =	vpop (erf);
	v49 =	vadd.f32 v4, v19;
	v7 =	vmax.f32 v42, v55  }
0xba: {  	v16 =	vmul.f32 v6, v2;
	v42 =	vnsel vm7, $0x0, v5;
	v2 =	vmax.f32 v7, v54  }
0xbb: {  	vm12 =	vge.f32 v61, v48;
	v13 =	vpop (erf);
	v49 =	vadd.f32 v49, v42;
	v58 =	vmax.f32 v2, v53  }
0xbc: {  	v3 =	vpop (erf);
	v59 =	vnsel vm8, $0x0, v13;
	v13 =	vmul.f32 v6, v0;
	vm10 =	vlt.f32 v63, v58  }
0xbd: {  	v60 =	vld [tilespmem:$0x1FF80];
	v43 =	vnsel vm9, $0x0, v3;
	v49 =	vadd.f32 v49, v59;
	v4 =	vnsel vm10, $0xFF800000, v63  }
0xbe: {  	vm2 =	vlt.f32 v62, v58;
	vm13 =	vlt.f32 v1, v58;
	v5 =	vmax.f32 v62, v4  }
0xbf: {  	vm14 =	vlt.f32 v44, v58;
	vm15 =	vlt.f32 v57, v58;
	v48 =	vsel vm2, v5, v4  }
0xc0: {  	v7 =	vpop (erf);
	vm4 =	vlt.f32 v55, v58;
	v49 =	vadd.f32 v49, v43;
	v50 =	vmax.f32 v48, v1  }
0xc1: {  	vm5 =	vlt.f32 v54, v58;
	v61 =	vnsel vm11, $0x0, v7;
	v48 =	vsel vm13, v50, v48  }
0xc2: {  	v7 =	vmul.f32 v6, v60;
	v3 =	vpop (erf);
	v49 =	vadd.f32 v49, v61;
	v51 =	vmax.f32 v48, v44  }
0xc3: {  	v60 =	vnsel vm12, $0x0, v3;
	v3 =	vsub.f32 v62, v58;
	v6 =	vsel vm14, v51, v48  }
0xc4: {  	vm6 =	vlt.f32 v53, v58;
	v0 =	vadd.f32 v49, v60;
	v2 =	vmax.f32 v6, v57  }
0xc5: {  	v5 =	vmul.f32 v25, v8;
	v8 =	vmul.f32 $1.442695020e+00, v3;
	v6 =	vsel vm15, v2, v6  }
0xc6: {  	(erf) = vrcp.f32 v0;
	v2 =	vsub.f32 v63, v58;
	v0 =	vmax.f32 v6, v55  }
0xc7: {  	(erf) = vpow2.f32 v8;
	v8 =	vsub.f32 v1, v58;
	v6 =	vsel vm4, v0, v6  }
0xc8: {  	v4 =	vmul.f32 v25, v10;
	v50 =	vld [tilespmem:$0x70];
	v10 =	vmul.f32 $1.442695020e+00, v2;
	v3 =	vmax.f32 v6, v54  }
0xc9: {  	v51 =	vld [tilespmem:$0xF0];
	v2 =	vmul.f32 v25, v12;
	v8 =	vmul.f32 $1.442695020e+00, v8;
	v6 =	vsel vm5, v3, v6  }
0xca: {  	v49 =	vld [tilespmem:$0x170];
	v12 =	vsub.f32 v44, v58;
	(erf) = vpow2.f32 v10;
	v0 =	vmax.f32 v6, v53  }
0xcb: {  	v48 =	vld [tilespmem:$0x1F0];
	v3 =	vmul.f32 v25, v17;
	v25 =	vsel vm6, v0, v6;
	v0 =	vsub.f32 v57, v58  }
0xcc: {  	v17 =	vld [tilespmem:$0x270];
	(erf) = vpow2.f32 v8;
	v8 =	vmul.f32 $1.442695020e+00, v12  }
0xcd: {  	v10 =	vsub.f32 v55, v58;
	v12 =	vld [tilespmem:$0x2F0];
	v6 =	vmul.f32 $1.442695020e+00, v0  }
0xce: {  	vm0 =	vge.f32 v62, v25;
	v62 =	vld [tilespmem:$0x370];
	(erf) = vpow2.f32 v8;
	v0 =	vmax.f32 v50, v51  }
0xcf: {  	v8 =	vld [tilespmem:$0x3F0];
	v0 =	vmax.f32 v0, v49;
	(erf) = vpow2.f32 v6;
	v6 =	vsub.f32 v54, v58  }
0xd0: {  	v10 =	vmul.f32 $1.442695020e+00, v10;
	v0 =	vmax.f32 v0, v48;
	v58 =	vsub.f32 v53, v58  }
0xd1: {  	vm7 =	vge.f32 v63, v25;
	v0 =	vmax.f32 v0, v17;
	v63 =	vmul.f32 $1.442695020e+00, v6  }
0xd2: {  	(erf) = vpow2.f32 v10;
	v0 =	vmax.f32 v0, v12;
	v10 =	vmul.f32 $1.442695020e+00, v58  }
0xd3: {  	vm8 =	vge.f32 v1, v25;
	v0 =	vmax.f32 v0, v62;
	v6 =	vpop (erf)  }
0xd4: {  	vm3 =	vge.f32 v44, v25;
	vm15 =	vge.f32 v53, v25;
	v58 =	vmax.f32 v0, v8;
	v44 =	vpop (erf)  }
0xd5: {  	[tilespmem:$0x510] =	vst v9;
	(erf) = vpow2.f32 v63;
	vm9 =	vlt.f32 v51, v58;
	v63 =	vpop (erf);
	v44 =	vnsel vm0, $0x0, v44  }
0xd6: {  	[tilespmem:$0x580] =	vst v52;
	(erf) = vpow2.f32 v10;
	v1 =	vnsel vm9, $0xFF800000, v51;
	v0 =	vnsel vm7, $0x0, v63;
	v10 =	vpop (erf)  }
0xd7: {  	[tilespmem:$0x600] =	vst v56;
	v53 =	vld [tilespmem:$0x1FFB0];
	vm10 =	vlt.f32 v50, v58;
	v52 =	vmax.f32 v50, v1;
	v63 =	vadd.f32 v0, v44;
	v56 =	vpop (erf)  }
0xd8: {  	[tilespmem:$0x480] =	vst v46;
	v46 =	vnsel vm8, $0x0, v10;
	v10 =	vsel vm10, v52, v1;
	v1 =	vnsel vm3, $0x0, v56;
	v56 =	vld [tilespmem:$0x1FF90]  }
0xd9: {  	[tilespmem:$0x400] =	vst v45;
	vm11 =	vge.f32 v57, v25;
	vm14 =	vge.f32 v54, v25;
	v54 =	vld [tilespmem:$0x1FFC0];
	v57 =	vpop (erf);
	v45 =	vadd.f32 v63, v46  }
0xda: {  	[tilespmem:$0x780] =	vst v7;
	v7 =	vnsel vm11, $0x0, v57;
	v57 =	vld [tilespmem:$0x1FFA0]  }
0xdb: {  	[tilespmem:$0x590] =	vst v11;
	v22 =	vmul.f32 v29, v22;
	vm13 =	vge.f32 v55, v25;
	v55 =	vpop (erf);
	v52 =	vadd.f32 v45, v1  }
0xdc: {  	[tilespmem:$0x680] =	vst v16;
	vm12 =	vlt.f32 v49, v58;
	v63 =	vmax.f32 v10, v49;
	v45 =	vnsel vm13, $0x0, v55;
	v55 =	vld [tilespmem:$0x1FFD0]  }
0xdd: {  	[tilespmem:$0x700] =	vst v13;
	v10 =	vsel vm12, v63, v10;
	v16 =	vmul.f32 v29, v56;
	v63 =	vadd.f32 v52, v7;
	v56 =	vld [tilespmem:$0x1FFE0]  }
0xde: {  	[tilespmem:$0x610] =	vst v2;
	v2 =	vmul.f32 v38, v33;
	v13 =	vmul.f32 v29, v53  }
0xdf: {  	[tilespmem:$0x500] =	vst v47;
	v25 =	vmul.f32 v29, v54;
	v47 =	vmul.f32 v29, v57;
	v57 =	vpop (erf);
	v63 =	vadd.f32 v63, v45  }
0xe0: {  	[tilespmem:$0x410] =	vst v4;
	vm4 =	vlt.f32 v48, v58;
	vm5 =	vlt.f32 v17, v58;
	v4 =	vnsel vm14, $0x0, v57  }
0xe1: {  	[tilespmem:$0x690] =	vst v15;
	vm6 =	vlt.f32 v12, v58;
	v57 =	vpop (erf);
	v9 =	vmul.f32 v29, v55;
	v63 =	vadd.f32 v63, v4  }
0xe2: {  	[tilespmem:$0x490] =	vst v5;
	v5 =	vnsel vm15, $0x0, v57;
	v55 =	vsub.f32 v50, v58;
	v52 =	vmul.f32 v29, v56;
	v56 =	vld [tilespmem:$0x1FFF0]  }
0xe3: {  	[tilespmem:$0x790] =	vst v18;
	v43 =	vmul.f32 v6, v43;
	vm7 =	vlt.f32 v62, v58;
	v54 =	vadd.f32 v63, v5  }
0xe4: {  	[tilespmem:$0x420] =	vst v16;
	v16 =	vmul.f32 v38, v32;
	v57 =	vsub.f32 v51, v58;
	v15 =	vmul.f32 $1.442695020e+00, v55  }
0xe5: {  	[tilespmem:$0x7A0] =	vst v22;
	v53 =	vmax.f32 v10, v48;
	v55 =	vmul.f32 v38, v30;
	(erf) = vrcp.f32 v54  }
0xe6: {  	[tilespmem:$0x710] =	vst v3;
	v32 =	vsub.f32 v49, v58;
	v63 =	vmul.f32 $1.442695020e+00, v57;
	(erf) = vpow2.f32 v15  }
0xe7: {  	[tilespmem:$0x430] =	vst v2;
	v10 =	vsel vm4, v53, v10;
	v11 =	vmul.f32 v29, v56;
	v29 =	vmul.f32 v38, v34  }
0xe8: {  	[tilespmem:$0x4A0] =	vst v47;
	v47 =	vsub.f32 v48, v58;
	(erf) = vpow2.f32 v63;
	v34 =	vmul.f32 $1.442695020e+00, v32  }
0xe9: {  	[tilespmem:$0x520] =	vst v13;
	v30 =	vsub.f32 v12, v58;
	v57 =	vsub.f32 v17, v58;
	v56 =	vmax.f32 v10, v17  }
0xea: {  	[tilespmem:$0x5A0] =	vst v25;
	v10 =	vsel vm5, v56, v10;
	v56 =	vmul.f32 $1.442695020e+00, v47;
	(erf) = vpow2.f32 v34  }
0xeb: {  	[tilespmem:$0x6A0] =	vst v52;
	v52 =	vsub.f32 v8, v58;
	v54 =	vmul.f32 v38, v28;
	v33 =	vmax.f32 v10, v12  }
0xec: {  	[tilespmem:$0x6D0] =	vst v43;
	v28 =	vmul.f32 $1.442695020e+00, v57;
	v53 =	vsel vm6, v33, v10;
	(erf) = vpow2.f32 v56  }
0xed: {  	[tilespmem:$0x530] =	vst v16;
	v63 =	vmul.f32 v38, v31;
	v32 =	vsub.f32 v62, v58;
	v25 =	vmax.f32 v53, v62  }
0xee: {  	[tilespmem:$0x620] =	vst v9;
	v33 =	vmul.f32 $1.442695020e+00, v30;
	(erf) = vpow2.f32 v28;
	v31 =	vsel vm7, v25, v53  }
0xef: {  	vm8 =	vlt.f32 v8, v58;
	[tilespmem:$0x630] =	vst v55;
	v3 =	vmul.f32 $1.442695020e+00, v52;
	v18 =	vmax.f32 v31, v8;
	v15 =	vpop (erf)  }
0xf0: {  	[tilespmem:$0x5B0] =	vst v54;
	v9 =	vmul.f32 $1.442695020e+00, v32;
	v2 =	vsel vm8, v18, v31;
	(erf) = vpow2.f32 v33;
	v47 =	vpop (erf)  }
0xf1: {  	v54 =	vmul.f32 v14, v36;
	[tilespmem:$0x720] =	vst v11;
	vm0 =	vge.f32 v50, v2;
	vm9 =	vge.f32 v51, v2;
	v53 =	vpop (erf)  }
0xf2: {  	[tilespmem:$0x4B0] =	vst v29;
	(erf) = vpow2.f32 v9;
	v9 =	vnsel vm0, $0x0, v47;
	v11 =	vnsel vm9, $0x0, v53  }
0xf3: {  	v58 =	vmul.f32 v14, v37;
	[tilespmem:$0x6B0] =	vst v63;
	vm10 =	vge.f32 v49, v2;
	v55 =	vpop (erf);
	v18 =	vadd.f32 v11, v9  }
0xf4: {  	v37 =	vmul.f32 v6, v21;
	[tilespmem:$0x440] =	vst v54;
	(erf) = vpow2.f32 v3;
	v10 =	vnsel vm10, $0x0, v55  }
0xf5: {  	v34 =	vmul.f32 v38, v26;
	[tilespmem:$0x540] =	vst v58;
	vm11 =	vge.f32 v48, v2;
	v57 =	vpop (erf);
	v18 =	vadd.f32 v18, v10  }
0xf6: {  	v38 =	vmul.f32 v38, v27;
	[tilespmem:$0x4D0] =	vst v37;
	v3 =	vnsel vm11, $0x0, v57  }
0xf7: {  	v63 =	vmul.f32 v14, v39;
	[tilespmem:$0x730] =	vst v34;
	vm12 =	vge.f32 v17, v2;
	v25 =	vpop (erf);
	v27 =	vadd.f32 v18, v3  }
0xf8: {  	v26 =	vmul.f32 v14, v40;
	[tilespmem:$0x7B0] =	vst v38;
	v29 =	vnsel vm12, $0x0, v25  }
0xf9: {  	v56 =	vmul.f32 v14, v35;
	[tilespmem:$0x5C0] =	vst v63;
	vm13 =	vge.f32 v12, v2;
	v30 =	vpop (erf);
	v32 =	vadd.f32 v27, v29  }
0xfa: {  	v35 =	vmul.f32 v6, v20;
	[tilespmem:$0x640] =	vst v26;
	v33 =	vnsel vm13, $0x0, v30  }
0xfb: {  	v28 =	vmul.f32 v14, v24;
	[tilespmem:$0x4C0] =	vst v56;
	vm14 =	vge.f32 v62, v2;
	v34 =	vpop (erf);
	v13 =	vadd.f32 v32, v33  }
0xfc: {  	v38 =	vmul.f32 v6, v19;
	[tilespmem:$0x450] =	vst v35;
	v36 =	vnsel vm14, $0x0, v34  }
0xfd: {  	[tilespmem:$0x6C0] =	vst v28;
	v31 =	vmul.f32 v14, v23;
	vm15 =	vge.f32 v8, v2;
	v39 =	vpop (erf);
	v40 =	vadd.f32 v13, v36  }
0xfe: {  	[tilespmem:$0x550] =	vst v38;
	v14 =	vmul.f32 v14, v41;
	v8 =	vnsel vm15, $0x0, v39  }
0xff: {  	v41 =	vmul.f32 v6, v42;
	[tilespmem:$0x740] =	vst v31;
	v12 =	vadd.f32 v40, v8  }
0x100: {  	v42 =	vmul.f32 v6, v59;
	[tilespmem:$0x7C0] =	vst v14  }
0x101: {  	v48 =	vmul.f32 v15, v44;
	[tilespmem:$0x5D0] =	vst v41;
	(erf) = vrcp.f32 v12  }
0x102: {  	v0 =	vmul.f32 v15, v0;
	[tilespmem:$0x650] =	vst v42  }
0x103: {  	v49 =	vmul.f32 v15, v46;
	[tilespmem:$0x460] =	vst v48  }
0x104: {  	v50 =	vmul.f32 v15, v1;
	[tilespmem:$0x4E0] =	vst v0  }
0x105: {  	v51 =	vmul.f32 v15, v7;
	[tilespmem:$0x560] =	vst v49  }
0x106: {  	v52 =	vmul.f32 v15, v45;
	[tilespmem:$0x5E0] =	vst v50  }
0x107: {  	v54 =	vmul.f32 v15, v5;
	[tilespmem:$0x660] =	vst v51  }
0x108: {  	v47 =	vmul.f32 v6, v61;
	[tilespmem:$0x6E0] =	vst v52  }
0x109: {  	v6 =	vmul.f32 v6, v60;
	[tilespmem:$0x7E0] =	vst v54  }
0x10a: {  	v53 =	vmul.f32 v15, v4;
	[tilespmem:$0x750] =	vst v47;
	v55 =	vpop (erf)  }
0x10b: {  	[tilespmem:$0x7D0] =	vst v6;
	v56 =	vmul.f32 v55, v9  }
0x10c: {  	[tilespmem:$0x760] =	vst v53;
	v57 =	vmul.f32 v55, v11  }
0x10d: {  	v58 =	vmul.f32 v55, v10;
	[tilespmem:$0x470] =	vst v56  }
0x10e: {  	v59 =	vmul.f32 v55, v3;
	[tilespmem:$0x4F0] =	vst v57  }
0x10f: {  	v60 =	vmul.f32 v55, v29;
	[tilespmem:$0x570] =	vst v58  }
0x110: {  	v61 =	vmul.f32 v55, v33;
	[tilespmem:$0x5F0] =	vst v59  }
0x111: {  	v62 =	vmul.f32 v55, v36;
	[tilespmem:$0x670] =	vst v60  }
0x112: {  	v63 =	vmul.f32 v55, v8;
	[tilespmem:$0x6F0] =	vst v61  }
0x113: {  	p0 =	sne.s32 s5, $0x1;
	[tilespmem:$0x770] =	vst v62  }
.Ltmp0:
0x114: {  	[tilespmem:$0x7F0] =	vst v63;
	(pc) =	sbr.rel @p0 .LBB2_1-.Ltmp0, $4  }
0x115: {  	[hbm4b:s4+s2] =	stream.linear.scatter [tilespmem:s7], [sflag:$0x1], $0x400, $0x38;
	[tilespmem:$0x800] =	vst v63  }
0x116: {  	_ =	swait.ge [sflag:s6], $0x400  }
0x117: {  	[sflag:s6] =	ssyncset.done $0x0  }
0x118: {  	s5 =	sadd.s32 $0xFFFFFFFF, s5;
	[sflag:s6] =	ssyncadd.s32 $0xFFFFFC00  }
0x119: {  	_ =	sfence.sel $0x180000  }
0x11a: {  	[bflag:$0x0] =	sbarrier.arrive $0xFFFF  }
0x11b: {  	p0 =	sne.s32 s1, $0x0;
	_ =	strace $0x90000047  }
0x11c: {  	s0 =	sadd.s32 @!p0 $0x100000, s0;
	[bflag:$0x2] =	sbarrier.arrive $0xFFFF  }
0x11d: {  	[sflag:s0] =	ssyncadd.tile.s32 @!p0 $0x1;
	_ =	shalt  }
.Lfunc_end2:
_tile_overlayer_lowered:
.L_overlay_start_2:
0x11e: {  	(tag) =	ssettag $0x2  }
0x11f: {  	s0 =	rddreg [dreg:$0x0];
	s2 =	stileid.u32  }
0x120: {  	s1 =	rddreg [dreg:$0x1];
	p0 =	sne.s32 s2, $0x0  }
0x121: {  	s3 =	rddreg [dreg:$0x2];
	[bflag:$0x3] =	sbarrier.arrive $0xFFFF;
	s2 =	simm.s32 @!p0 $0x1C01  }
0x122: {  	[timem:s3], [sflag:s2] =	dma.local @!p0 [hbm:s0], s1  }
0x123: {  	s0 =	simm.s32 @!p0 $0x1  }
0x124: {  	_ =	swait.ge @!p0 [sflag:s0], s1  }
0x125: {  	s1 =	ssub.s32 @!p0 $0x0, s1;
	[sflag:s0] =	ssyncset.done @!p0 $0x0  }
0x126: {  	[sflag:s0] =	ssyncadd.s32 @!p0 s1  }
0x127: {  	[bflag:$0x3] =	sbarrier.arrive $0xFFFF  }
0x128: {  	_ =	shalt  }

</sc_bundles>
